<compile_context>
chip_gen: v7x
topology: tpu7x:2x2x1
jax: 0.10.2.dev20260603
libtpu: 0.0.44.dev20260713+nightly
codegen_flags: <defaults>
</compile_context>

<pallas_src>
import functools

import jax
import jax.numpy as jnp
from jax import lax
from jax.experimental import pallas as pl
from jax.experimental.pallas import tpu as pltpu
from jax.experimental.pallas import tpu_sc as plsc

_BIN_THRESH = float(2.0 ** -24)
_N_IMG = 16
_H = 512
_W = 512
_VALID = _H - 2
_POS_PER_HIST = _N_IMG * _VALID * _VALID

_N_TILES = 32
_PACK = 176
_ROWS = _PACK // 2
_CHUNK = _ROWS * _W
_HALF_OFF = 528 * 16
_HIST_WORDS = 2 * _HALF_OFF
_CNT_HALF = 640
_CNT_ROW = 2 * _CNT_HALF


def _codes_body(inp_ref, tgt_ref, cin_ref, ctgt_ref):
    for src, dst in ((inp_ref, cin_ref), (tgt_ref, ctgt_ref)):
        x = src[0]
        xb = (x > _BIN_THRESH).astype(jnp.int32)
        rc = (xb[:, 0:510] << 2) + (xb[:, 1:511] << 1) + xb[:, 2:512]
        code = (rc[0:510] << 6) + (rc[1:511] << 3) + rc[2:512]
        code = jnp.concatenate(
            [code, jnp.full((_VALID, 2), 512, jnp.int32)], axis=1)
        code = jnp.concatenate(
            [code, jnp.full((3 * _PACK - _VALID, _W), 512, jnp.int32)],
            axis=0)
        dst[0] = (code[0:_PACK] | (code[_PACK:2 * _PACK] << 10)
                  | (code[2 * _PACK:3 * _PACK] << 20))


def _codes(inp, tgt):
    return pl.pallas_call(
        _codes_body,
        grid=(_N_IMG,),
        in_specs=[
            pl.BlockSpec((1, _H, _W), lambda i: (i, 0, 0)),
            pl.BlockSpec((1, _H, _W), lambda i: (i, 0, 0)),
        ],
        out_specs=[
            pl.BlockSpec((1, _PACK, _W), lambda i: (i, 0, 0)),
            pl.BlockSpec((1, _PACK, _W), lambda i: (i, 0, 0)),
        ],
        out_shape=[
            jax.ShapeDtypeStruct((_N_IMG, _PACK, _W), jnp.int32),
            jax.ShapeDtypeStruct((_N_IMG, _PACK, _W), jnp.int32),
        ],
    )(inp, tgt)


def _hist_body(cin, ctgt, out_hbm, buf, hist, counts, sem0, sem1):
    wid = lax.axis_index("s") * 2 + lax.axis_index("c")
    lane = lax.iota(jnp.int32, 16)
    ones = jnp.ones((16,), jnp.float32)

    @plsc.parallel_loop(0, _HIST_WORDS // 16, unroll=8)
    def _zero(i):
        hist[pl.ds(i * 16, 16)] = jnp.zeros((16,), jnp.float32)

    img = wid >> 1
    r0 = (wid & 1) * _ROWS
    chunks = [(half, src, dr, nr)
              for half, src in ((0, cin), (1, ctgt))
              for dr, nr in ((0, 48), (48, 40))]
    sems = (sem0, sem1)
    n = len(chunks)
    _, src0, dr0, nr0 = chunks[0]
    pending = pltpu.async_copy(
        src0.at[img, pl.ds(r0 + dr0, nr0), :],
        buf.at[0, pl.ds(0, nr0)], sems[0])
    for ci in range(n):
        half, _, _, nrows = chunks[ci]
        s = ci % 2
        if ci + 1 < n:
            _, nsrc, ndr, nnr = chunks[ci + 1]
            nxt = pltpu.async_copy(
                nsrc.at[img, pl.ds(r0 + ndr, nnr), :],
                buf.at[1 - s, pl.ds(0, nnr)], sems[1 - s])
        pending.wait()

        @plsc.parallel_loop(0, nrows * (_W // 16), unroll=16)
        def _chunk(j, _off=half * _HALF_OFF, _s=s):
            r = j >> 5
            c = (j & 31) << 4
            w = buf[_s, r, pl.ds(c, 16)]
            lane_off = lane + _off
            idx0 = ((w << 4) & 0x3FF0) + lane_off
            plsc.addupdate_scatter(hist, [idx0], ones)
            idx1 = (lax.shift_right_logical(w, 6) & 0x3FF0) + lane_off
            plsc.addupdate_scatter(hist, [idx1], ones)
            idx2 = (lax.shift_right_logical(w, 16) & 0x3FF0) + lane_off
            plsc.addupdate_scatter(hist, [idx2], ones)

        if ci + 1 < n:
            pending = nxt

    for half in range(2):
        hoff = half * _HALF_OFF
        coff = half * _CNT_HALF

        def red_body(g, _):
            addr0 = hoff + ((g * 16 + lane) << 4)
            acc = jnp.zeros((16,), jnp.float32)
            for l in range(16):
                acc = acc + plsc.load_gather(hist, [addr0 + l])
            counts[pl.ds(coff + g * 16, 16)] = acc
            return 0

        lax.fori_loop(0, 33, red_body, 0)

    pltpu.sync_copy(counts, out_hbm.at[wid])


@functools.cache
def _hist():
    return pl.kernel(
        _hist_body,
        out_type=jax.ShapeDtypeStruct((_N_TILES, _CNT_ROW), jnp.float32),
        mesh=plsc.VectorSubcoreMesh(core_axis_name="c", subcore_axis_name="s"),
        compiler_params=pltpu.CompilerParams(needs_layout_passes=False),
        scratch_types=[
            pltpu.VMEM((2, 48, _W), jnp.int32),
            pltpu.VMEM((_HIST_WORDS,), jnp.float32),
            pltpu.VMEM((_CNT_ROW,), jnp.float32),
            pltpu.SemaphoreType.DMA,
            pltpu.SemaphoreType.DMA,
        ],
    )

_MSE_SCALE = 1.0 / (float(_POS_PER_HIST) ** 2 * 512.0 * float(_N_IMG))


def _mse_body(p_ref, out_ref):
    s = jnp.sum(p_ref[...], axis=0, keepdims=True)
    d = s[:, 0:512] - s[:, _CNT_HALF:_CNT_HALF + 512]
    out_ref[0, 0] = jnp.sum(d * d) * _MSE_SCALE


def _mse(parts):
    return pl.pallas_call(
        _mse_body,
        out_specs=pl.BlockSpec(memory_space=pltpu.SMEM),
        out_shape=jax.ShapeDtypeStruct((1, 1), jnp.float32),
    )(parts)


def kernel(input, target):
    inp = input.reshape(_N_IMG, _H, _W)
    tgt = target.reshape(_N_IMG, _H, _W)
    cin, ctgt = _codes(inp, tgt)
    parts = _hist()(cin, ctgt)
    return _mse(parts)[0, 0]

# --- scband reference (transcript-rebuilt; emitter-appended) ---
"""Pipeline reference for scband-pattern-loss-2-d-44152263803103 (READ-ONLY COPY).

The authoritative reference and input builder live on the scoring server;
editing this copy changes nothing except your own understanding.
"""

import jax, jax.numpy as jnp
import numpy as np

GRAY_THRESHOLD = 127.5

_PATTERN_W = jnp.array([[256.0, 128.0, 64.0], [32.0, 16.0, 8.0], [4.0, 2.0, 1.0]], dtype=jnp.float32).reshape(1, 1, 3, 3)


def setup_inputs(seed: int = 0) -> dict:
    key = jax.random.key(seed)
    k1, k2 = jax.random.split(key)
    inp = jax.random.normal(k1, (16, 1, 512, 512), dtype=jnp.float32)
    tgt = jax.random.normal(k2, (16, 1, 512, 512), dtype=jnp.float32)
    return {"input": inp, "target": tgt}


def _convert_to_0_255(x):
    return (x * 0.5 + 0.5) * 255.0


def _get_3x3_hist(x, dilation=1):
    # binarize at gray threshold
    xb = (x > GRAY_THRESHOLD).astype(jnp.float32)
    # 3x3 conv with powers-of-two weights -> encodes each 3x3 binary pattern as int in [0, 511]
    h = jax.lax.conv_general_dilated(
        xb, _PATTERN_W,
        window_strides=(1, 1),
        padding='VALID',
        rhs_dilation=(dilation, dilation),
        dimension_numbers=('NCHW', 'OIHW', 'NCHW'))
    h = h.reshape(-1).astype(jnp.int32)
    count = jnp.bincount(h, minlength=512, length=512).astype(jnp.float32)
    count = count / h.shape[0]
    return count


def reference(input, target):
    if input.shape != target.shape:
        raise Exception('the shapes of input and target must be the same!')
    N, C, H, W = input.shape
    image_input = _convert_to_0_255(input)
    image_target = _convert_to_0_255(target)
    input_hist = _get_3x3_hist(image_input, dilation=1)
    target_hist = _get_3x3_hist(image_target, dilation=1)
    s = jnp.mean((input_hist - target_hist) ** 2)  # MSELoss
    s = s / N / C
    return s

if __name__ == "__main__":
    import jax
    _d = setup_inputs()
    print(jax.jit(kernel)(*tuple(_d.values())))

</pallas_src>

<mosaic_0001>
#map = affine_map<(d0, d1) -> (0, 0, 0)>
#map1 = affine_map<(d0, d1) -> (0, 0)>
module attributes {stable_mosaic.version = 14 : i64} {
  func.func @_hist_body(%arg0: i32, %arg1: i32, %arg2: memref<16x176x512xi32, #tpu.memory_space<hbm>>, %arg3: memref<16x176x512xi32, #tpu.memory_space<hbm>>, %arg4: memref<32x1280xf32, #tpu.memory_space<hbm>>, %arg5: memref<2x48x512xi32, #tpu.memory_space<vmem>>, %arg6: memref<16896xf32, #tpu.memory_space<vmem>>, %arg7: memref<1280xf32, #tpu.memory_space<vmem>>, %arg8: memref<!tpu.dma_semaphore, #tpu.memory_space<semaphore_mem>>, %arg9: memref<!tpu.dma_semaphore, #tpu.memory_space<semaphore_mem>>) attributes {dimension_semantics = [#tpu.dimension_semantics<core_parallel>, #tpu.dimension_semantics<subcore_parallel>], iteration_bounds = array<i64: 2, 16>, scalar_prefetch = 0 : i64, scratch_operands = 5 : i64, tpu.core_type = #tpu.core_type<sc_vector_subcore>, window_params = [{transform_indices = #map}, {transform_indices = #map}, {transform_indices = #map1}]} {
    %mul3A = arith.constant 2 : i32
    %mul3A_0 = arith.muli %arg1, %mul3A : i32
    %add3A = arith.addi %mul3A_0, %arg0 : i32
    %iota3A = tpu.iota {dimensions = array<i32: 0>} : vector<16xi32>
    %broadcast_in_dim3A = arith.constant 1.000000e+00 : f32
    %broadcast_in_dim3A_1 = vector.broadcast %broadcast_in_dim3A : f32 to vector<16xf32>
    %parallel_loop3A = arith.constant 0 : i32
    %parallel_loop3A_2 = arith.constant 1056 : i32
    %parallel_loop3A_3 = arith.constant 1 : i32
    scf.for %parallel_loop3A_159 = %parallel_loop3A to %parallel_loop3A_2 step %parallel_loop3A_3  : i32 {
      %parallel_loop3A_160 = arith.constant 0.000000e+00 : f32
      %parallel_loop3A_161 = vector.broadcast %parallel_loop3A_160 : f32 to vector<16xf32>
      %parallel_loop3A_162 = arith.constant 16 : i32
      %parallel_loop3A_163 = arith.muli %parallel_loop3A_159, %parallel_loop3A_162 : i32
      %parallel_loop3A_164 = arith.index_cast %parallel_loop3A_163 : i32 to index
      %parallel_loop3A_165 = tpu.vector_load %arg6[%parallel_loop3A_164] {strides = array<i32>} : memref<16896xf32, #tpu.memory_space<vmem>>, vector<16xf32>,
      tpu.vector_store %arg6[%parallel_loop3A_164], %parallel_loop3A_161 {strides = array<i32>} : memref<16896xf32, #tpu.memory_space<vmem>>, vector<16xf32>,
    } {sc.loop_unroll_factor = 8 : i64, sc.parallel_access}
    %shift_right_arithmetic3A = arith.constant 1 : i32
    %shift_right_arithmetic3A_4 = arith.shrsi %add3A, %shift_right_arithmetic3A : i32
    %and3A = arith.constant 1 : i32
    %and3A_5 = arith.andi %add3A, %and3A : i32
    %mul3A_6 = arith.constant 88 : i32
    %mul3A_7 = arith.muli %and3A_5, %mul3A_6 : i32
    %add3A_8 = arith.constant 0 : i32
    %add3A_9 = arith.addi %mul3A_7, %add3A_8 : i32
    %dma_start3A = arith.constant 0 : i32
    %dma_start3A_10 = arith.constant 0 : i32
    %dma_start3A_11 = arith.constant 0 : i32
    %dma_start3A_12 = tpu.memref_slice %arg5[%dma_start3A, %dma_start3A_10, %dma_start3A_11] : memref<2x48x512xi32, #tpu.memory_space<vmem>> -> memref<1x48x512xi32, #tpu.memory_space<vmem>>
    %dma_start3A_13 = tpu.memref_squeeze %dma_start3A_12 : memref<1x48x512xi32, #tpu.memory_space<vmem>> -> memref<48x512xi32, #tpu.memory_space<vmem>>
    %dma_start3A_14 = arith.constant 0 : i32
    %dma_start3A_15 = tpu.memref_slice %arg2[%shift_right_arithmetic3A_4, %add3A_9, %dma_start3A_14] : memref<16x176x512xi32, #tpu.memory_space<hbm>> -> memref<1x48x512xi32, #tpu.memory_space<hbm>>
    %dma_start3A_16 = tpu.memref_squeeze %dma_start3A_15 : memref<1x48x512xi32, #tpu.memory_space<hbm>> -> memref<48x512xi32, #tpu.memory_space<hbm>>
    %dma_start3A_17 = arith.constant 0 : i32
    %dma_start3A_18 = arith.constant 0 : i32
    %dma_start3A_19 = tpu.memref_slice %arg5[%dma_start3A, %dma_start3A_17, %dma_start3A_18] : memref<2x48x512xi32, #tpu.memory_space<vmem>> -> memref<1x48x512xi32, #tpu.memory_space<vmem>>
    %dma_start3A_20 = tpu.memref_squeeze %dma_start3A_19 : memref<1x48x512xi32, #tpu.memory_space<vmem>> -> memref<48x512xi32, #tpu.memory_space<vmem>>
    %dma_start3A_21 = arith.constant 0 : i32
    %dma_start3A_22 = tpu.memref_slice %arg2[%shift_right_arithmetic3A_4, %add3A_9, %dma_start3A_21] : memref<16x176x512xi32, #tpu.memory_space<hbm>> -> memref<1x48x512xi32, #tpu.memory_space<hbm>>
    %dma_start3A_23 = tpu.memref_squeeze %dma_start3A_22 : memref<1x48x512xi32, #tpu.memory_space<hbm>> -> memref<48x512xi32, #tpu.memory_space<hbm>>
    tpu.enqueue_dma source(%dma_start3A_23 : memref<48x512xi32, #tpu.memory_space<hbm>>) target(%dma_start3A_20 : memref<48x512xi32, #tpu.memory_space<vmem>>) target_semaphore(%arg8 : memref<!tpu.dma_semaphore, #tpu.memory_space<semaphore_mem>>)
    %add3A_24 = arith.constant 48 : i32
    %add3A_25 = arith.addi %mul3A_7, %add3A_24 : i32
    %dma_start3A_26 = arith.constant 1 : i32
    %dma_start3A_27 = arith.constant 0 : i32
    %dma_start3A_28 = arith.constant 0 : i32
    %dma_start3A_29 = tpu.memref_slice %arg5[%dma_start3A_26, %dma_start3A_27, %dma_start3A_28] : memref<2x48x512xi32, #tpu.memory_space<vmem>> -> memref<1x40x512xi32, #tpu.memory_space<vmem>>
    %dma_start3A_30 = tpu.memref_squeeze %dma_start3A_29 : memref<1x40x512xi32, #tpu.memory_space<vmem>> -> memref<40x512xi32, #tpu.memory_space<vmem>>
    %dma_start3A_31 = arith.constant 0 : i32
    %dma_start3A_32 = tpu.memref_slice %arg2[%shift_right_arithmetic3A_4, %add3A_25, %dma_start3A_31] : memref<16x176x512xi32, #tpu.memory_space<hbm>> -> memref<1x40x512xi32, #tpu.memory_space<hbm>>
    %dma_start3A_33 = tpu.memref_squeeze %dma_start3A_32 : memref<1x40x512xi32, #tpu.memory_space<hbm>> -> memref<40x512xi32, #tpu.memory_space<hbm>>
    %dma_start3A_34 = arith.constant 0 : i32
    %dma_start3A_35 = arith.constant 0 : i32
    %dma_start3A_36 = tpu.memref_slice %arg5[%dma_start3A_26, %dma_start3A_34, %dma_start3A_35] : memref<2x48x512xi32, #tpu.memory_space<vmem>> -> memref<1x40x512xi32, #tpu.memory_space<vmem>>
    %dma_start3A_37 = tpu.memref_squeeze %dma_start3A_36 : memref<1x40x512xi32, #tpu.memory_space<vmem>> -> memref<40x512xi32, #tpu.memory_space<vmem>>
    %dma_start3A_38 = arith.constant 0 : i32
    %dma_start3A_39 = tpu.memref_slice %arg2[%shift_right_arithmetic3A_4, %add3A_25, %dma_start3A_38] : memref<16x176x512xi32, #tpu.memory_space<hbm>> -> memref<1x40x512xi32, #tpu.memory_space<hbm>>
    %dma_start3A_40 = tpu.memref_squeeze %dma_start3A_39 : memref<1x40x512xi32, #tpu.memory_space<hbm>> -> memref<40x512xi32, #tpu.memory_space<hbm>>
    tpu.enqueue_dma source(%dma_start3A_40 : memref<40x512xi32, #tpu.memory_space<hbm>>) target(%dma_start3A_37 : memref<40x512xi32, #tpu.memory_space<vmem>>) target_semaphore(%arg9 : memref<!tpu.dma_semaphore, #tpu.memory_space<semaphore_mem>>)
    %dma_wait3A = arith.constant 0 : i32
    %dma_wait3A_41 = arith.constant 0 : i32
    %dma_wait3A_42 = arith.constant 0 : i32
    %dma_wait3A_43 = tpu.memref_slice %arg5[%dma_wait3A, %dma_wait3A_41, %dma_wait3A_42] : memref<2x48x512xi32, #tpu.memory_space<vmem>> -> memref<1x48x512xi32, #tpu.memory_space<vmem>>
    %dma_wait3A_44 = tpu.memref_squeeze %dma_wait3A_43 : memref<1x48x512xi32, #tpu.memory_space<vmem>> -> memref<48x512xi32, #tpu.memory_space<vmem>>
    %dma_wait3A_45 = arith.constant 0 : i32
    %dma_wait3A_46 = tpu.memref_slice %arg2[%shift_right_arithmetic3A_4, %add3A_9, %dma_wait3A_45] : memref<16x176x512xi32, #tpu.memory_space<hbm>> -> memref<1x48x512xi32, #tpu.memory_space<hbm>>
    %dma_wait3A_47 = tpu.memref_squeeze %dma_wait3A_46 : memref<1x48x512xi32, #tpu.memory_space<hbm>> -> memref<48x512xi32, #tpu.memory_space<hbm>>
    %dma_wait3A_48 = arith.constant 0 : i32
    %dma_wait3A_49 = arith.constant 0 : i32
    %dma_wait3A_50 = tpu.memref_slice %arg5[%dma_wait3A, %dma_wait3A_48, %dma_wait3A_49] : memref<2x48x512xi32, #tpu.memory_space<vmem>> -> memref<1x48x512xi32, #tpu.memory_space<vmem>>
    %dma_wait3A_51 = tpu.memref_squeeze %dma_wait3A_50 : memref<1x48x512xi32, #tpu.memory_space<vmem>> -> memref<48x512xi32, #tpu.memory_space<vmem>>
    %dma_wait3A_52 = arith.constant 0 : i32
    %dma_wait3A_53 = tpu.memref_slice %arg2[%shift_right_arithmetic3A_4, %add3A_9, %dma_wait3A_52] : memref<16x176x512xi32, #tpu.memory_space<hbm>> -> memref<1x48x512xi32, #tpu.memory_space<hbm>>
    %dma_wait3A_54 = tpu.memref_squeeze %dma_wait3A_53 : memref<1x48x512xi32, #tpu.memory_space<hbm>> -> memref<48x512xi32, #tpu.memory_space<hbm>>
    tpu.wait_dma2 semaphore(%arg8 : memref<!tpu.dma_semaphore, #tpu.memory_space<semaphore_mem>>) src(%dma_wait3A_54 : memref<48x512xi32, #tpu.memory_space<hbm>>) dst(%dma_wait3A_51 : memref<48x512xi32, #tpu.memory_space<vmem>>)
    %parallel_loop3A_55 = arith.constant 0 : i32
    %parallel_loop3A_56 = arith.constant 1536 : i32
    %parallel_loop3A_57 = arith.constant 1 : i32
    scf.for %parallel_loop3A_159 = %parallel_loop3A_55 to %parallel_loop3A_56 step %parallel_loop3A_57  : i32 {
      %parallel_loop3A_160 = arith.constant 5 : i32
      %parallel_loop3A_161 = arith.shrsi %parallel_loop3A_159, %parallel_loop3A_160 : i32
      %parallel_loop3A_162 = arith.constant 31 : i32
      %parallel_loop3A_163 = arith.andi %parallel_loop3A_159, %parallel_loop3A_162 : i32
      %parallel_loop3A_164 = arith.constant 4 : i32
      %parallel_loop3A_165 = arith.shli %parallel_loop3A_163, %parallel_loop3A_164 : i32
      %parallel_loop3A_166 = arith.constant 0 : i32
      %parallel_loop3A_167 = arith.index_cast %parallel_loop3A_166 : i32 to index
      %parallel_loop3A_168 = arith.index_cast %parallel_loop3A_161 : i32 to index
      %parallel_loop3A_169 = arith.index_cast %parallel_loop3A_165 : i32 to index
      %parallel_loop3A_170 = tpu.vector_load %arg5[%parallel_loop3A_167, %parallel_loop3A_168, %parallel_loop3A_169] {strides = array<i32>} : memref<2x48x512xi32, #tpu.memory_space<vmem>>, vector<16xi32>,
      %parallel_loop3A_171 = arith.constant 0 : i32
      %parallel_loop3A_172 = vector.broadcast %parallel_loop3A_171 : i32 to vector<16xi32>
      %parallel_loop3A_173 = arith.addi %iota3A, %parallel_loop3A_172 : vector<16xi32>
      %parallel_loop3A_174 = arith.constant 4 : i32
      %parallel_loop3A_175 = vector.broadcast %parallel_loop3A_174 : i32 to vector<16xi32>
      %parallel_loop3A_176 = arith.shli %parallel_loop3A_170, %parallel_loop3A_175 : vector<16xi32>
      %parallel_loop3A_177 = arith.constant 16368 : i32
      %parallel_loop3A_178 = vector.broadcast %parallel_loop3A_177 : i32 to vector<16xi32>
      %parallel_loop3A_179 = arith.andi %parallel_loop3A_176, %parallel_loop3A_178 : vector<16xi32>
      %parallel_loop3A_180 = arith.addi %parallel_loop3A_179, %parallel_loop3A_173 : vector<16xi32>
      tpu.vector_store_idx %arg6[%parallel_loop3A_180], %broadcast_in_dim3A_1 {add = true} : memref<16896xf32, #tpu.memory_space<vmem>>[vector<16xi32>], vector<16xf32>,
      %parallel_loop3A_181 = arith.constant 6 : i32
      %parallel_loop3A_182 = vector.broadcast %parallel_loop3A_181 : i32 to vector<16xi32>
      %parallel_loop3A_183 = arith.shrui %parallel_loop3A_170, %parallel_loop3A_182 : vector<16xi32>
      %parallel_loop3A_184 = arith.constant 16368 : i32
      %parallel_loop3A_185 = vector.broadcast %parallel_loop3A_184 : i32 to vector<16xi32>
      %parallel_loop3A_186 = arith.andi %parallel_loop3A_183, %parallel_loop3A_185 : vector<16xi32>
      %parallel_loop3A_187 = arith.addi %parallel_loop3A_186, %parallel_loop3A_173 : vector<16xi32>
      tpu.vector_store_idx %arg6[%parallel_loop3A_187], %broadcast_in_dim3A_1 {add = true} : memref<16896xf32, #tpu.memory_space<vmem>>[vector<16xi32>], vector<16xf32>,
      %parallel_loop3A_188 = arith.constant 16 : i32
      %parallel_loop3A_189 = vector.broadcast %parallel_loop3A_188 : i32 to vector<16xi32>
      %parallel_loop3A_190 = arith.shrui %parallel_loop3A_170, %parallel_loop3A_189 : vector<16xi32>
      %parallel_loop3A_191 = arith.constant 16368 : i32
      %parallel_loop3A_192 = vector.broadcast %parallel_loop3A_191 : i32 to vector<16xi32>
      %parallel_loop3A_193 = arith.andi %parallel_loop3A_190, %parallel_loop3A_192 : vector<16xi32>
      %parallel_loop3A_194 = arith.addi %parallel_loop3A_193, %parallel_loop3A_173 : vector<16xi32>
      tpu.vector_store_idx %arg6[%parallel_loop3A_194], %broadcast_in_dim3A_1 {add = true} : memref<16896xf32, #tpu.memory_space<vmem>>[vector<16xi32>], vector<16xf32>,
    } {sc.loop_unroll_factor = 16 : i64, sc.parallel_access}
    %add3A_58 = arith.constant 0 : i32
    %add3A_59 = arith.addi %mul3A_7, %add3A_58 : i32
    %dma_start3A_60 = arith.constant 0 : i32
    %dma_start3A_61 = arith.constant 0 : i32
    %dma_start3A_62 = arith.constant 0 : i32
    %dma_start3A_63 = tpu.memref_slice %arg5[%dma_start3A_60, %dma_start3A_61, %dma_start3A_62] : memref<2x48x512xi32, #tpu.memory_space<vmem>> -> memref<1x48x512xi32, #tpu.memory_space<vmem>>
    %dma_start3A_64 = tpu.memref_squeeze %dma_start3A_63 : memref<1x48x512xi32, #tpu.memory_space<vmem>> -> memref<48x512xi32, #tpu.memory_space<vmem>>
    %dma_start3A_65 = arith.constant 0 : i32
    %dma_start3A_66 = tpu.memref_slice %arg3[%shift_right_arithmetic3A_4, %add3A_59, %dma_start3A_65] : memref<16x176x512xi32, #tpu.memory_space<hbm>> -> memref<1x48x512xi32, #tpu.memory_space<hbm>>
    %dma_start3A_67 = tpu.memref_squeeze %dma_start3A_66 : memref<1x48x512xi32, #tpu.memory_space<hbm>> -> memref<48x512xi32, #tpu.memory_space<hbm>>
    %dma_start3A_68 = arith.constant 0 : i32
    %dma_start3A_69 = arith.constant 0 : i32
    %dma_start3A_70 = tpu.memref_slice %arg5[%dma_start3A_60, %dma_start3A_68, %dma_start3A_69] : memref<2x48x512xi32, #tpu.memory_space<vmem>> -> memref<1x48x512xi32, #tpu.memory_space<vmem>>
    %dma_start3A_71 = tpu.memref_squeeze %dma_start3A_70 : memref<1x48x512xi32, #tpu.memory_space<vmem>> -> memref<48x512xi32, #tpu.memory_space<vmem>>
    %dma_start3A_72 = arith.constant 0 : i32
    %dma_start3A_73 = tpu.memref_slice %arg3[%shift_right_arithmetic3A_4, %add3A_59, %dma_start3A_72] : memref<16x176x512xi32, #tpu.memory_space<hbm>> -> memref<1x48x512xi32, #tpu.memory_space<hbm>>
    %dma_start3A_74 = tpu.memref_squeeze %dma_start3A_73 : memref<1x48x512xi32, #tpu.memory_space<hbm>> -> memref<48x512xi32, #tpu.memory_space<hbm>>
    tpu.enqueue_dma source(%dma_start3A_74 : memref<48x512xi32, #tpu.memory_space<hbm>>) target(%dma_start3A_71 : memref<48x512xi32, #tpu.memory_space<vmem>>) target_semaphore(%arg8 : memref<!tpu.dma_semaphore, #tpu.memory_space<semaphore_mem>>)
    %dma_wait3A_75 = arith.constant 1 : i32
    %dma_wait3A_76 = arith.constant 0 : i32
    %dma_wait3A_77 = arith.constant 0 : i32
    %dma_wait3A_78 = tpu.memref_slice %arg5[%dma_wait3A_75, %dma_wait3A_76, %dma_wait3A_77] : memref<2x48x512xi32, #tpu.memory_space<vmem>> -> memref<1x40x512xi32, #tpu.memory_space<vmem>>
    %dma_wait3A_79 = tpu.memref_squeeze %dma_wait3A_78 : memref<1x40x512xi32, #tpu.memory_space<vmem>> -> memref<40x512xi32, #tpu.memory_space<vmem>>
    %dma_wait3A_80 = arith.constant 0 : i32
    %dma_wait3A_81 = tpu.memref_slice %arg2[%shift_right_arithmetic3A_4, %add3A_25, %dma_wait3A_80] : memref<16x176x512xi32, #tpu.memory_space<hbm>> -> memref<1x40x512xi32, #tpu.memory_space<hbm>>
    %dma_wait3A_82 = tpu.memref_squeeze %dma_wait3A_81 : memref<1x40x512xi32, #tpu.memory_space<hbm>> -> memref<40x512xi32, #tpu.memory_space<hbm>>
    %dma_wait3A_83 = arith.constant 0 : i32
    %dma_wait3A_84 = arith.constant 0 : i32
    %dma_wait3A_85 = tpu.memref_slice %arg5[%dma_wait3A_75, %dma_wait3A_83, %dma_wait3A_84] : memref<2x48x512xi32, #tpu.memory_space<vmem>> -> memref<1x40x512xi32, #tpu.memory_space<vmem>>
    %dma_wait3A_86 = tpu.memref_squeeze %dma_wait3A_85 : memref<1x40x512xi32, #tpu.memory_space<vmem>> -> memref<40x512xi32, #tpu.memory_space<vmem>>
    %dma_wait3A_87 = arith.constant 0 : i32
    %dma_wait3A_88 = tpu.memref_slice %arg2[%shift_right_arithmetic3A_4, %add3A_25, %dma_wait3A_87] : memref<16x176x512xi32, #tpu.memory_space<hbm>> -> memref<1x40x512xi32, #tpu.memory_space<hbm>>
    %dma_wait3A_89 = tpu.memref_squeeze %dma_wait3A_88 : memref<1x40x512xi32, #tpu.memory_space<hbm>> -> memref<40x512xi32, #tpu.memory_space<hbm>>
    tpu.wait_dma2 semaphore(%arg9 : memref<!tpu.dma_semaphore, #tpu.memory_space<semaphore_mem>>) src(%dma_wait3A_89 : memref<40x512xi32, #tpu.memory_space<hbm>>) dst(%dma_wait3A_86 : memref<40x512xi32, #tpu.memory_space<vmem>>)
    %parallel_loop3A_90 = arith.constant 0 : i32
    %parallel_loop3A_91 = arith.constant 1280 : i32
    %parallel_loop3A_92 = arith.constant 1 : i32
    scf.for %parallel_loop3A_159 = %parallel_loop3A_90 to %parallel_loop3A_91 step %parallel_loop3A_92  : i32 {
      %parallel_loop3A_160 = arith.constant 5 : i32
      %parallel_loop3A_161 = arith.shrsi %parallel_loop3A_159, %parallel_loop3A_160 : i32
      %parallel_loop3A_162 = arith.constant 31 : i32
      %parallel_loop3A_163 = arith.andi %parallel_loop3A_159, %parallel_loop3A_162 : i32
      %parallel_loop3A_164 = arith.constant 4 : i32
      %parallel_loop3A_165 = arith.shli %parallel_loop3A_163, %parallel_loop3A_164 : i32
      %parallel_loop3A_166 = arith.constant 1 : i32
      %parallel_loop3A_167 = arith.index_cast %parallel_loop3A_166 : i32 to index
      %parallel_loop3A_168 = arith.index_cast %parallel_loop3A_161 : i32 to index
      %parallel_loop3A_169 = arith.index_cast %parallel_loop3A_165 : i32 to index
      %parallel_loop3A_170 = tpu.vector_load %arg5[%parallel_loop3A_167, %parallel_loop3A_168, %parallel_loop3A_169] {strides = array<i32>} : memref<2x48x512xi32, #tpu.memory_space<vmem>>, vector<16xi32>,
      %parallel_loop3A_171 = arith.constant 0 : i32
      %parallel_loop3A_172 = vector.broadcast %parallel_loop3A_171 : i32 to vector<16xi32>
      %parallel_loop3A_173 = arith.addi %iota3A, %parallel_loop3A_172 : vector<16xi32>
      %parallel_loop3A_174 = arith.constant 4 : i32
      %parallel_loop3A_175 = vector.broadcast %parallel_loop3A_174 : i32 to vector<16xi32>
      %parallel_loop3A_176 = arith.shli %parallel_loop3A_170, %parallel_loop3A_175 : vector<16xi32>
      %parallel_loop3A_177 = arith.constant 16368 : i32
      %parallel_loop3A_178 = vector.broadcast %parallel_loop3A_177 : i32 to vector<16xi32>
      %parallel_loop3A_179 = arith.andi %parallel_loop3A_176, %parallel_loop3A_178 : vector<16xi32>
      %parallel_loop3A_180 = arith.addi %parallel_loop3A_179, %parallel_loop3A_173 : vector<16xi32>
      tpu.vector_store_idx %arg6[%parallel_loop3A_180], %broadcast_in_dim3A_1 {add = true} : memref<16896xf32, #tpu.memory_space<vmem>>[vector<16xi32>], vector<16xf32>,
      %parallel_loop3A_181 = arith.constant 6 : i32
      %parallel_loop3A_182 = vector.broadcast %parallel_loop3A_181 : i32 to vector<16xi32>
      %parallel_loop3A_183 = arith.shrui %parallel_loop3A_170, %parallel_loop3A_182 : vector<16xi32>
      %parallel_loop3A_184 = arith.constant 16368 : i32
      %parallel_loop3A_185 = vector.broadcast %parallel_loop3A_184 : i32 to vector<16xi32>
      %parallel_loop3A_186 = arith.andi %parallel_loop3A_183, %parallel_loop3A_185 : vector<16xi32>
      %parallel_loop3A_187 = arith.addi %parallel_loop3A_186, %parallel_loop3A_173 : vector<16xi32>
      tpu.vector_store_idx %arg6[%parallel_loop3A_187], %broadcast_in_dim3A_1 {add = true} : memref<16896xf32, #tpu.memory_space<vmem>>[vector<16xi32>], vector<16xf32>,
      %parallel_loop3A_188 = arith.constant 16 : i32
      %parallel_loop3A_189 = vector.broadcast %parallel_loop3A_188 : i32 to vector<16xi32>
      %parallel_loop3A_190 = arith.shrui %parallel_loop3A_170, %parallel_loop3A_189 : vector<16xi32>
      %parallel_loop3A_191 = arith.constant 16368 : i32
      %parallel_loop3A_192 = vector.broadcast %parallel_loop3A_191 : i32 to vector<16xi32>
      %parallel_loop3A_193 = arith.andi %parallel_loop3A_190, %parallel_loop3A_192 : vector<16xi32>
      %parallel_loop3A_194 = arith.addi %parallel_loop3A_193, %parallel_loop3A_173 : vector<16xi32>
      tpu.vector_store_idx %arg6[%parallel_loop3A_194], %broadcast_in_dim3A_1 {add = true} : memref<16896xf32, #tpu.memory_space<vmem>>[vector<16xi32>], vector<16xf32>,
    } {sc.loop_unroll_factor = 16 : i64, sc.parallel_access}
    %add3A_93 = arith.constant 48 : i32
    %add3A_94 = arith.addi %mul3A_7, %add3A_93 : i32
    %dma_start3A_95 = arith.constant 1 : i32
    %dma_start3A_96 = arith.constant 0 : i32
    %dma_start3A_97 = arith.constant 0 : i32
    %dma_start3A_98 = tpu.memref_slice %arg5[%dma_start3A_95, %dma_start3A_96, %dma_start3A_97] : memref<2x48x512xi32, #tpu.memory_space<vmem>> -> memref<1x40x512xi32, #tpu.memory_space<vmem>>
    %dma_start3A_99 = tpu.memref_squeeze %dma_start3A_98 : memref<1x40x512xi32, #tpu.memory_space<vmem>> -> memref<40x512xi32, #tpu.memory_space<vmem>>
    %dma_start3A_100 = arith.constant 0 : i32
    %dma_start3A_101 = tpu.memref_slice %arg3[%shift_right_arithmetic3A_4, %add3A_94, %dma_start3A_100] : memref<16x176x512xi32, #tpu.memory_space<hbm>> -> memref<1x40x512xi32, #tpu.memory_space<hbm>>
    %dma_start3A_102 = tpu.memref_squeeze %dma_start3A_101 : memref<1x40x512xi32, #tpu.memory_space<hbm>> -> memref<40x512xi32, #tpu.memory_space<hbm>>
    %dma_start3A_103 = arith.constant 0 : i32
    %dma_start3A_104 = arith.constant 0 : i32
    %dma_start3A_105 = tpu.memref_slice %arg5[%dma_start3A_95, %dma_start3A_103, %dma_start3A_104] : memref<2x48x512xi32, #tpu.memory_space<vmem>> -> memref<1x40x512xi32, #tpu.memory_space<vmem>>
    %dma_start3A_106 = tpu.memref_squeeze %dma_start3A_105 : memref<1x40x512xi32, #tpu.memory_space<vmem>> -> memref<40x512xi32, #tpu.memory_space<vmem>>
    %dma_start3A_107 = arith.constant 0 : i32
    %dma_start3A_108 = tpu.memref_slice %arg3[%shift_right_arithmetic3A_4, %add3A_94, %dma_start3A_107] : memref<16x176x512xi32, #tpu.memory_space<hbm>> -> memref<1x40x512xi32, #tpu.memory_space<hbm>>
    %dma_start3A_109 = tpu.memref_squeeze %dma_start3A_108 : memref<1x40x512xi32, #tpu.memory_space<hbm>> -> memref<40x512xi32, #tpu.memory_space<hbm>>
    tpu.enqueue_dma source(%dma_start3A_109 : memref<40x512xi32, #tpu.memory_space<hbm>>) target(%dma_start3A_106 : memref<40x512xi32, #tpu.memory_space<vmem>>) target_semaphore(%arg9 : memref<!tpu.dma_semaphore, #tpu.memory_space<semaphore_mem>>)
    %dma_wait3A_110 = arith.constant 0 : i32
    %dma_wait3A_111 = arith.constant 0 : i32
    %dma_wait3A_112 = arith.constant 0 : i32
    %dma_wait3A_113 = tpu.memref_slice %arg5[%dma_wait3A_110, %dma_wait3A_111, %dma_wait3A_112] : memref<2x48x512xi32, #tpu.memory_space<vmem>> -> memref<1x48x512xi32, #tpu.memory_space<vmem>>
    %dma_wait3A_114 = tpu.memref_squeeze %dma_wait3A_113 : memref<1x48x512xi32, #tpu.memory_space<vmem>> -> memref<48x512xi32, #tpu.memory_space<vmem>>
    %dma_wait3A_115 = arith.constant 0 : i32
    %dma_wait3A_116 = tpu.memref_slice %arg3[%shift_right_arithmetic3A_4, %add3A_59, %dma_wait3A_115] : memref<16x176x512xi32, #tpu.memory_space<hbm>> -> memref<1x48x512xi32, #tpu.memory_space<hbm>>
    %dma_wait3A_117 = tpu.memref_squeeze %dma_wait3A_116 : memref<1x48x512xi32, #tpu.memory_space<hbm>> -> memref<48x512xi32, #tpu.memory_space<hbm>>
    %dma_wait3A_118 = arith.constant 0 : i32
    %dma_wait3A_119 = arith.constant 0 : i32
    %dma_wait3A_120 = tpu.memref_slice %arg5[%dma_wait3A_110, %dma_wait3A_118, %dma_wait3A_119] : memref<2x48x512xi32, #tpu.memory_space<vmem>> -> memref<1x48x512xi32, #tpu.memory_space<vmem>>
    %dma_wait3A_121 = tpu.memref_squeeze %dma_wait3A_120 : memref<1x48x512xi32, #tpu.memory_space<vmem>> -> memref<48x512xi32, #tpu.memory_space<vmem>>
    %dma_wait3A_122 = arith.constant 0 : i32
    %dma_wait3A_123 = tpu.memref_slice %arg3[%shift_right_arithmetic3A_4, %add3A_59, %dma_wait3A_122] : memref<16x176x512xi32, #tpu.memory_space<hbm>> -> memref<1x48x512xi32, #tpu.memory_space<hbm>>
    %dma_wait3A_124 = tpu.memref_squeeze %dma_wait3A_123 : memref<1x48x512xi32, #tpu.memory_space<hbm>> -> memref<48x512xi32, #tpu.memory_space<hbm>>
    tpu.wait_dma2 semaphore(%arg8 : memref<!tpu.dma_semaphore, #tpu.memory_space<semaphore_mem>>) src(%dma_wait3A_124 : memref<48x512xi32, #tpu.memory_space<hbm>>) dst(%dma_wait3A_121 : memref<48x512xi32, #tpu.memory_space<vmem>>)
    %parallel_loop3A_125 = arith.constant 0 : i32
    %parallel_loop3A_126 = arith.constant 1536 : i32
    %parallel_loop3A_127 = arith.constant 1 : i32
    scf.for %parallel_loop3A_159 = %parallel_loop3A_125 to %parallel_loop3A_126 step %parallel_loop3A_127  : i32 {
      %parallel_loop3A_160 = arith.constant 5 : i32
      %parallel_loop3A_161 = arith.shrsi %parallel_loop3A_159, %parallel_loop3A_160 : i32
      %parallel_loop3A_162 = arith.constant 31 : i32
      %parallel_loop3A_163 = arith.andi %parallel_loop3A_159, %parallel_loop3A_162 : i32
      %parallel_loop3A_164 = arith.constant 4 : i32
      %parallel_loop3A_165 = arith.shli %parallel_loop3A_163, %parallel_loop3A_164 : i32
      %parallel_loop3A_166 = arith.constant 0 : i32
      %parallel_loop3A_167 = arith.index_cast %parallel_loop3A_166 : i32 to index
      %parallel_loop3A_168 = arith.index_cast %parallel_loop3A_161 : i32 to index
      %parallel_loop3A_169 = arith.index_cast %parallel_loop3A_165 : i32 to index
      %parallel_loop3A_170 = tpu.vector_load %arg5[%parallel_loop3A_167, %parallel_loop3A_168, %parallel_loop3A_169] {strides = array<i32>} : memref<2x48x512xi32, #tpu.memory_space<vmem>>, vector<16xi32>,
      %parallel_loop3A_171 = arith.constant 8448 : i32
      %parallel_loop3A_172 = vector.broadcast %parallel_loop3A_171 : i32 to vector<16xi32>
      %parallel_loop3A_173 = arith.addi %iota3A, %parallel_loop3A_172 : vector<16xi32>
      %parallel_loop3A_174 = arith.constant 4 : i32
      %parallel_loop3A_175 = vector.broadcast %parallel_loop3A_174 : i32 to vector<16xi32>
      %parallel_loop3A_176 = arith.shli %parallel_loop3A_170, %parallel_loop3A_175 : vector<16xi32>
      %parallel_loop3A_177 = arith.constant 16368 : i32
      %parallel_loop3A_178 = vector.broadcast %parallel_loop3A_177 : i32 to vector<16xi32>
      %parallel_loop3A_179 = arith.andi %parallel_loop3A_176, %parallel_loop3A_178 : vector<16xi32>
      %parallel_loop3A_180 = arith.addi %parallel_loop3A_179, %parallel_loop3A_173 : vector<16xi32>
      tpu.vector_store_idx %arg6[%parallel_loop3A_180], %broadcast_in_dim3A_1 {add = true} : memref<16896xf32, #tpu.memory_space<vmem>>[vector<16xi32>], vector<16xf32>,
      %parallel_loop3A_181 = arith.constant 6 : i32
      %parallel_loop3A_182 = vector.broadcast %parallel_loop3A_181 : i32 to vector<16xi32>
      %parallel_loop3A_183 = arith.shrui %parallel_loop3A_170, %parallel_loop3A_182 : vector<16xi32>
      %parallel_loop3A_184 = arith.constant 16368 : i32
      %parallel_loop3A_185 = vector.broadcast %parallel_loop3A_184 : i32 to vector<16xi32>
      %parallel_loop3A_186 = arith.andi %parallel_loop3A_183, %parallel_loop3A_185 : vector<16xi32>
      %parallel_loop3A_187 = arith.addi %parallel_loop3A_186, %parallel_loop3A_173 : vector<16xi32>
      tpu.vector_store_idx %arg6[%parallel_loop3A_187], %broadcast_in_dim3A_1 {add = true} : memref<16896xf32, #tpu.memory_space<vmem>>[vector<16xi32>], vector<16xf32>,
      %parallel_loop3A_188 = arith.constant 16 : i32
      %parallel_loop3A_189 = vector.broadcast %parallel_loop3A_188 : i32 to vector<16xi32>
      %parallel_loop3A_190 = arith.shrui %parallel_loop3A_170, %parallel_loop3A_189 : vector<16xi32>
      %parallel_loop3A_191 = arith.constant 16368 : i32
      %parallel_loop3A_192 = vector.broadcast %parallel_loop3A_191 : i32 to vector<16xi32>
      %parallel_loop3A_193 = arith.andi %parallel_loop3A_190, %parallel_loop3A_192 : vector<16xi32>
      %parallel_loop3A_194 = arith.addi %parallel_loop3A_193, %parallel_loop3A_173 : vector<16xi32>
      tpu.vector_store_idx %arg6[%parallel_loop3A_194], %broadcast_in_dim3A_1 {add = true} : memref<16896xf32, #tpu.memory_space<vmem>>[vector<16xi32>], vector<16xf32>,
    } {sc.loop_unroll_factor = 16 : i64, sc.parallel_access}
    %dma_wait3A_128 = arith.constant 1 : i32
    %dma_wait3A_129 = arith.constant 0 : i32
    %dma_wait3A_130 = arith.constant 0 : i32
    %dma_wait3A_131 = tpu.memref_slice %arg5[%dma_wait3A_128, %dma_wait3A_129, %dma_wait3A_130] : memref<2x48x512xi32, #tpu.memory_space<vmem>> -> memref<1x40x512xi32, #tpu.memory_space<vmem>>
    %dma_wait3A_132 = tpu.memref_squeeze %dma_wait3A_131 : memref<1x40x512xi32, #tpu.memory_space<vmem>> -> memref<40x512xi32, #tpu.memory_space<vmem>>
    %dma_wait3A_133 = arith.constant 0 : i32
    %dma_wait3A_134 = tpu.memref_slice %arg3[%shift_right_arithmetic3A_4, %add3A_94, %dma_wait3A_133] : memref<16x176x512xi32, #tpu.memory_space<hbm>> -> memref<1x40x512xi32, #tpu.memory_space<hbm>>
    %dma_wait3A_135 = tpu.memref_squeeze %dma_wait3A_134 : memref<1x40x512xi32, #tpu.memory_space<hbm>> -> memref<40x512xi32, #tpu.memory_space<hbm>>
    %dma_wait3A_136 = arith.constant 0 : i32
    %dma_wait3A_137 = arith.constant 0 : i32
    %dma_wait3A_138 = tpu.memref_slice %arg5[%dma_wait3A_128, %dma_wait3A_136, %dma_wait3A_137] : memref<2x48x512xi32, #tpu.memory_space<vmem>> -> memref<1x40x512xi32, #tpu.memory_space<vmem>>
    %dma_wait3A_139 = tpu.memref_squeeze %dma_wait3A_138 : memref<1x40x512xi32, #tpu.memory_space<vmem>> -> memref<40x512xi32, #tpu.memory_space<vmem>>
    %dma_wait3A_140 = arith.constant 0 : i32
    %dma_wait3A_141 = tpu.memref_slice %arg3[%shift_right_arithmetic3A_4, %add3A_94, %dma_wait3A_140] : memref<16x176x512xi32, #tpu.memory_space<hbm>> -> memref<1x40x512xi32, #tpu.memory_space<hbm>>
    %dma_wait3A_142 = tpu.memref_squeeze %dma_wait3A_141 : memref<1x40x512xi32, #tpu.memory_space<hbm>> -> memref<40x512xi32, #tpu.memory_space<hbm>>
    tpu.wait_dma2 semaphore(%arg9 : memref<!tpu.dma_semaphore, #tpu.memory_space<semaphore_mem>>) src(%dma_wait3A_142 : memref<40x512xi32, #tpu.memory_space<hbm>>) dst(%dma_wait3A_139 : memref<40x512xi32, #tpu.memory_space<vmem>>)
    %parallel_loop3A_143 = arith.constant 0 : i32
    %parallel_loop3A_144 = arith.constant 1280 : i32
    %parallel_loop3A_145 = arith.constant 1 : i32
    scf.for %parallel_loop3A_159 = %parallel_loop3A_143 to %parallel_loop3A_144 step %parallel_loop3A_145  : i32 {
      %parallel_loop3A_160 = arith.constant 5 : i32
      %parallel_loop3A_161 = arith.shrsi %parallel_loop3A_159, %parallel_loop3A_160 : i32
      %parallel_loop3A_162 = arith.constant 31 : i32
      %parallel_loop3A_163 = arith.andi %parallel_loop3A_159, %parallel_loop3A_162 : i32
      %parallel_loop3A_164 = arith.constant 4 : i32
      %parallel_loop3A_165 = arith.shli %parallel_loop3A_163, %parallel_loop3A_164 : i32
      %parallel_loop3A_166 = arith.constant 1 : i32
      %parallel_loop3A_167 = arith.index_cast %parallel_loop3A_166 : i32 to index
      %parallel_loop3A_168 = arith.index_cast %parallel_loop3A_161 : i32 to index
      %parallel_loop3A_169 = arith.index_cast %parallel_loop3A_165 : i32 to index
      %parallel_loop3A_170 = tpu.vector_load %arg5[%parallel_loop3A_167, %parallel_loop3A_168, %parallel_loop3A_169] {strides = array<i32>} : memref<2x48x512xi32, #tpu.memory_space<vmem>>, vector<16xi32>,
      %parallel_loop3A_171 = arith.constant 8448 : i32
      %parallel_loop3A_172 = vector.broadcast %parallel_loop3A_171 : i32 to vector<16xi32>
      %parallel_loop3A_173 = arith.addi %iota3A, %parallel_loop3A_172 : vector<16xi32>
      %parallel_loop3A_174 = arith.constant 4 : i32
      %parallel_loop3A_175 = vector.broadcast %parallel_loop3A_174 : i32 to vector<16xi32>
      %parallel_loop3A_176 = arith.shli %parallel_loop3A_170, %parallel_loop3A_175 : vector<16xi32>
      %parallel_loop3A_177 = arith.constant 16368 : i32
      %parallel_loop3A_178 = vector.broadcast %parallel_loop3A_177 : i32 to vector<16xi32>
      %parallel_loop3A_179 = arith.andi %parallel_loop3A_176, %parallel_loop3A_178 : vector<16xi32>
      %parallel_loop3A_180 = arith.addi %parallel_loop3A_179, %parallel_loop3A_173 : vector<16xi32>
      tpu.vector_store_idx %arg6[%parallel_loop3A_180], %broadcast_in_dim3A_1 {add = true} : memref<16896xf32, #tpu.memory_space<vmem>>[vector<16xi32>], vector<16xf32>,
      %parallel_loop3A_181 = arith.constant 6 : i32
      %parallel_loop3A_182 = vector.broadcast %parallel_loop3A_181 : i32 to vector<16xi32>
      %parallel_loop3A_183 = arith.shrui %parallel_loop3A_170, %parallel_loop3A_182 : vector<16xi32>
      %parallel_loop3A_184 = arith.constant 16368 : i32
      %parallel_loop3A_185 = vector.broadcast %parallel_loop3A_184 : i32 to vector<16xi32>
      %parallel_loop3A_186 = arith.andi %parallel_loop3A_183, %parallel_loop3A_185 : vector<16xi32>
      %parallel_loop3A_187 = arith.addi %parallel_loop3A_186, %parallel_loop3A_173 : vector<16xi32>
      tpu.vector_store_idx %arg6[%parallel_loop3A_187], %broadcast_in_dim3A_1 {add = true} : memref<16896xf32, #tpu.memory_space<vmem>>[vector<16xi32>], vector<16xf32>,
      %parallel_loop3A_188 = arith.constant 16 : i32
      %parallel_loop3A_189 = vector.broadcast %parallel_loop3A_188 : i32 to vector<16xi32>
      %parallel_loop3A_190 = arith.shrui %parallel_loop3A_170, %parallel_loop3A_189 : vector<16xi32>
      %parallel_loop3A_191 = arith.constant 16368 : i32
      %parallel_loop3A_192 = vector.broadcast %parallel_loop3A_191 : i32 to vector<16xi32>
      %parallel_loop3A_193 = arith.andi %parallel_loop3A_190, %parallel_loop3A_192 : vector<16xi32>
      %parallel_loop3A_194 = arith.addi %parallel_loop3A_193, %parallel_loop3A_173 : vector<16xi32>
      tpu.vector_store_idx %arg6[%parallel_loop3A_194], %broadcast_in_dim3A_1 {add = true} : memref<16896xf32, #tpu.memory_space<vmem>>[vector<16xi32>], vector<16xf32>,
    } {sc.loop_unroll_factor = 16 : i64, sc.parallel_access}
    %scan3A = arith.constant 0 : i32
    %scan3A_146 = arith.constant 0 : i32
    %scan3A_147 = arith.constant 33 : i32
    %scan3A_148 = arith.addi %scan3A_146, %scan3A_147 : i32
    %scan3A_149 = arith.constant 1 : i32
    %scan3A_150 = scf.for %scan3A_159 = %scan3A_146 to %scan3A_148 step %scan3A_149 iter_args(%scan3A_160 = %scan3A) -> (i32)  : i32 {
      %mul3A_161 = arith.constant 16 : i32
      %mul3A_162 = arith.muli %scan3A_159, %mul3A_161 : i32
      %add3A_163 = vector.broadcast %mul3A_162 : i32 to vector<16xi32>
      %add3A_164 = arith.addi %add3A_163, %iota3A : vector<16xi32>
      %shift_left3A = arith.constant 4 : i32
      %shift_left3A_165 = vector.broadcast %shift_left3A : i32 to vector<16xi32>
      %shift_left3A_166 = arith.shli %add3A_164, %shift_left3A_165 : vector<16xi32>
      %add3A_167 = arith.constant 0 : i32
      %add3A_168 = vector.broadcast %add3A_167 : i32 to vector<16xi32>
      %add3A_169 = arith.addi %add3A_168, %shift_left3A_166 : vector<16xi32>
      %broadcast_in_dim3A_170 = arith.constant 0.000000e+00 : f32
      %broadcast_in_dim3A_171 = vector.broadcast %broadcast_in_dim3A_170 : f32 to vector<16xf32>
      %add3A_172 = arith.constant 0 : i32
      %add3A_173 = vector.broadcast %add3A_172 : i32 to vector<16xi32>
      %add3A_174 = arith.addi %add3A_169, %add3A_173 : vector<16xi32>
      %gather3A = tpu.vector_load_idx %arg6[%add3A_174] : memref<16896xf32, #tpu.memory_space<vmem>>[vector<16xi32>], vector<16xf32>,
      %add3A_175 = arith.addf %broadcast_in_dim3A_171, %gather3A : vector<16xf32>
      %add3A_176 = arith.constant 1 : i32
      %add3A_177 = vector.broadcast %add3A_176 : i32 to vector<16xi32>
      %add3A_178 = arith.addi %add3A_169, %add3A_177 : vector<16xi32>
      %gather3A_179 = tpu.vector_load_idx %arg6[%add3A_178] : memref<16896xf32, #tpu.memory_space<vmem>>[vector<16xi32>], vector<16xf32>,
      %add3A_180 = arith.addf %add3A_175, %gather3A_179 : vector<16xf32>
      %add3A_181 = arith.constant 2 : i32
      %add3A_182 = vector.broadcast %add3A_181 : i32 to vector<16xi32>
      %add3A_183 = arith.addi %add3A_169, %add3A_182 : vector<16xi32>
      %gather3A_184 = tpu.vector_load_idx %arg6[%add3A_183] : memref<16896xf32, #tpu.memory_space<vmem>>[vector<16xi32>], vector<16xf32>,
      %add3A_185 = arith.addf %add3A_180, %gather3A_184 : vector<16xf32>
      %add3A_186 = arith.constant 3 : i32
      %add3A_187 = vector.broadcast %add3A_186 : i32 to vector<16xi32>
      %add3A_188 = arith.addi %add3A_169, %add3A_187 : vector<16xi32>
      %gather3A_189 = tpu.vector_load_idx %arg6[%add3A_188] : memref<16896xf32, #tpu.memory_space<vmem>>[vector<16xi32>], vector<16xf32>,
      %add3A_190 = arith.addf %add3A_185, %gather3A_189 : vector<16xf32>
      %add3A_191 = arith.constant 4 : i32
      %add3A_192 = vector.broadcast %add3A_191 : i32 to vector<16xi32>
      %add3A_193 = arith.addi %add3A_169, %add3A_192 : vector<16xi32>
      %gather3A_194 = tpu.vector_load_idx %arg6[%add3A_193] : memref<16896xf32, #tpu.memory_space<vmem>>[vector<16xi32>], vector<16xf32>,
      %add3A_195 = arith.addf %add3A_190, %gather3A_194 : vector<16xf32>
      %add3A_196 = arith.constant 5 : i32
      %add3A_197 = vector.broadcast %add3A_196 : i32 to vector<16xi32>
      %add3A_198 = arith.addi %add3A_169, %add3A_197 : vector<16xi32>
      %gather3A_199 = tpu.vector_load_idx %arg6[%add3A_198] : memref<16896xf32, #tpu.memory_space<vmem>>[vector<16xi32>], vector<16xf32>,
      %add3A_200 = arith.addf %add3A_195, %gather3A_199 : vector<16xf32>
      %add3A_201 = arith.constant 6 : i32
      %add3A_202 = vector.broadcast %add3A_201 : i32 to vector<16xi32>
      %add3A_203 = arith.addi %add3A_169, %add3A_202 : vector<16xi32>
      %gather3A_204 = tpu.vector_load_idx %arg6[%add3A_203] : memref<16896xf32, #tpu.memory_space<vmem>>[vector<16xi32>], vector<16xf32>,
      %add3A_205 = arith.addf %add3A_200, %gather3A_204 : vector<16xf32>
      %add3A_206 = arith.constant 7 : i32
      %add3A_207 = vector.broadcast %add3A_206 : i32 to vector<16xi32>
      %add3A_208 = arith.addi %add3A_169, %add3A_207 : vector<16xi32>
      %gather3A_209 = tpu.vector_load_idx %arg6[%add3A_208] : memref<16896xf32, #tpu.memory_space<vmem>>[vector<16xi32>], vector<16xf32>,
      %add3A_210 = arith.addf %add3A_205, %gather3A_209 : vector<16xf32>
      %add3A_211 = arith.constant 8 : i32
      %add3A_212 = vector.broadcast %add3A_211 : i32 to vector<16xi32>
      %add3A_213 = arith.addi %add3A_169, %add3A_212 : vector<16xi32>
      %gather3A_214 = tpu.vector_load_idx %arg6[%add3A_213] : memref<16896xf32, #tpu.memory_space<vmem>>[vector<16xi32>], vector<16xf32>,
      %add3A_215 = arith.addf %add3A_210, %gather3A_214 : vector<16xf32>
      %add3A_216 = arith.constant 9 : i32
      %add3A_217 = vector.broadcast %add3A_216 : i32 to vector<16xi32>
      %add3A_218 = arith.addi %add3A_169, %add3A_217 : vector<16xi32>
      %gather3A_219 = tpu.vector_load_idx %arg6[%add3A_218] : memref<16896xf32, #tpu.memory_space<vmem>>[vector<16xi32>], vector<16xf32>,
      %add3A_220 = arith.addf %add3A_215, %gather3A_219 : vector<16xf32>
      %add3A_221 = arith.constant 10 : i32
      %add3A_222 = vector.broadcast %add3A_221 : i32 to vector<16xi32>
      %add3A_223 = arith.addi %add3A_169, %add3A_222 : vector<16xi32>
      %gather3A_224 = tpu.vector_load_idx %arg6[%add3A_223] : memref<16896xf32, #tpu.memory_space<vmem>>[vector<16xi32>], vector<16xf32>,
      %add3A_225 = arith.addf %add3A_220, %gather3A_224 : vector<16xf32>
      %add3A_226 = arith.constant 11 : i32
      %add3A_227 = vector.broadcast %add3A_226 : i32 to vector<16xi32>
      %add3A_228 = arith.addi %add3A_169, %add3A_227 : vector<16xi32>
      %gather3A_229 = tpu.vector_load_idx %arg6[%add3A_228] : memref<16896xf32, #tpu.memory_space<vmem>>[vector<16xi32>], vector<16xf32>,
      %add3A_230 = arith.addf %add3A_225, %gather3A_229 : vector<16xf32>
      %add3A_231 = arith.constant 12 : i32
      %add3A_232 = vector.broadcast %add3A_231 : i32 to vector<16xi32>
      %add3A_233 = arith.addi %add3A_169, %add3A_232 : vector<16xi32>
      %gather3A_234 = tpu.vector_load_idx %arg6[%add3A_233] : memref<16896xf32, #tpu.memory_space<vmem>>[vector<16xi32>], vector<16xf32>,
      %add3A_235 = arith.addf %add3A_230, %gather3A_234 : vector<16xf32>
      %add3A_236 = arith.constant 13 : i32
      %add3A_237 = vector.broadcast %add3A_236 : i32 to vector<16xi32>
      %add3A_238 = arith.addi %add3A_169, %add3A_237 : vector<16xi32>
      %gather3A_239 = tpu.vector_load_idx %arg6[%add3A_238] : memref<16896xf32, #tpu.memory_space<vmem>>[vector<16xi32>], vector<16xf32>,
      %add3A_240 = arith.addf %add3A_235, %gather3A_239 : vector<16xf32>
      %add3A_241 = arith.constant 14 : i32
      %add3A_242 = vector.broadcast %add3A_241 : i32 to vector<16xi32>
      %add3A_243 = arith.addi %add3A_169, %add3A_242 : vector<16xi32>
      %gather3A_244 = tpu.vector_load_idx %arg6[%add3A_243] : memref<16896xf32, #tpu.memory_space<vmem>>[vector<16xi32>], vector<16xf32>,
      %add3A_245 = arith.addf %add3A_240, %gather3A_244 : vector<16xf32>
      %add3A_246 = arith.constant 15 : i32
      %add3A_247 = vector.broadcast %add3A_246 : i32 to vector<16xi32>
      %add3A_248 = arith.addi %add3A_169, %add3A_247 : vector<16xi32>
      %gather3A_249 = tpu.vector_load_idx %arg6[%add3A_248] : memref<16896xf32, #tpu.memory_space<vmem>>[vector<16xi32>], vector<16xf32>,
      %add3A_250 = arith.addf %add3A_245, %gather3A_249 : vector<16xf32>
      %mul3A_251 = arith.constant 16 : i32
      %mul3A_252 = arith.muli %scan3A_159, %mul3A_251 : i32
      %add3A_253 = arith.constant 0 : i32
      %add3A_254 = arith.addi %add3A_253, %mul3A_252 : i32
      %swap3A = arith.index_cast %add3A_254 : i32 to index
      %swap3A_255 = tpu.vector_load %arg7[%swap3A] {strides = array<i32>} : memref<1280xf32, #tpu.memory_space<vmem>>, vector<16xf32>,
      tpu.vector_store %arg7[%swap3A], %add3A_250 {strides = array<i32>} : memref<1280xf32, #tpu.memory_space<vmem>>, vector<16xf32>,
      %scan3A_256 = arith.constant 0 : i32
      scf.yield %scan3A_256 : i32
    }
    %scan3A_151 = arith.constant 33 : i32
    %scan3A_152 = arith.constant 0 : i32
    %scan3A_153 = arith.constant 0 : i32
    %scan3A_154 = arith.constant 33 : i32
    %scan3A_155 = arith.addi %scan3A_153, %scan3A_154 : i32
    %scan3A_156 = arith.constant 1 : i32
    %scan3A_157 = scf.for %scan3A_159 = %scan3A_153 to %scan3A_155 step %scan3A_156 iter_args(%scan3A_160 = %scan3A_152) -> (i32)  : i32 {
      %mul3A_161 = arith.constant 16 : i32
      %mul3A_162 = arith.muli %scan3A_159, %mul3A_161 : i32
      %add3A_163 = vector.broadcast %mul3A_162 : i32 to vector<16xi32>
      %add3A_164 = arith.addi %add3A_163, %iota3A : vector<16xi32>
      %shift_left3A = arith.constant 4 : i32
      %shift_left3A_165 = vector.broadcast %shift_left3A : i32 to vector<16xi32>
      %shift_left3A_166 = arith.shli %add3A_164, %shift_left3A_165 : vector<16xi32>
      %add3A_167 = arith.constant 8448 : i32
      %add3A_168 = vector.broadcast %add3A_167 : i32 to vector<16xi32>
      %add3A_169 = arith.addi %add3A_168, %shift_left3A_166 : vector<16xi32>
      %broadcast_in_dim3A_170 = arith.constant 0.000000e+00 : f32
      %broadcast_in_dim3A_171 = vector.broadcast %broadcast_in_dim3A_170 : f32 to vector<16xf32>
      %add3A_172 = arith.constant 0 : i32
      %add3A_173 = vector.broadcast %add3A_172 : i32 to vector<16xi32>
      %add3A_174 = arith.addi %add3A_169, %add3A_173 : vector<16xi32>
      %gather3A = tpu.vector_load_idx %arg6[%add3A_174] : memref<16896xf32, #tpu.memory_space<vmem>>[vector<16xi32>], vector<16xf32>,
      %add3A_175 = arith.addf %broadcast_in_dim3A_171, %gather3A : vector<16xf32>
      %add3A_176 = arith.constant 1 : i32
      %add3A_177 = vector.broadcast %add3A_176 : i32 to vector<16xi32>
      %add3A_178 = arith.addi %add3A_169, %add3A_177 : vector<16xi32>
      %gather3A_179 = tpu.vector_load_idx %arg6[%add3A_178] : memref<16896xf32, #tpu.memory_space<vmem>>[vector<16xi32>], vector<16xf32>,
      %add3A_180 = arith.addf %add3A_175, %gather3A_179 : vector<16xf32>
      %add3A_181 = arith.constant 2 : i32
      %add3A_182 = vector.broadcast %add3A_181 : i32 to vector<16xi32>
      %add3A_183 = arith.addi %add3A_169, %add3A_182 : vector<16xi32>
      %gather3A_184 = tpu.vector_load_idx %arg6[%add3A_183] : memref<16896xf32, #tpu.memory_space<vmem>>[vector<16xi32>], vector<16xf32>,
      %add3A_185 = arith.addf %add3A_180, %gather3A_184 : vector<16xf32>
      %add3A_186 = arith.constant 3 : i32
      %add3A_187 = vector.broadcast %add3A_186 : i32 to vector<16xi32>
      %add3A_188 = arith.addi %add3A_169, %add3A_187 : vector<16xi32>
      %gather3A_189 = tpu.vector_load_idx %arg6[%add3A_188] : memref<16896xf32, #tpu.memory_space<vmem>>[vector<16xi32>], vector<16xf32>,
      %add3A_190 = arith.addf %add3A_185, %gather3A_189 : vector<16xf32>
      %add3A_191 = arith.constant 4 : i32
      %add3A_192 = vector.broadcast %add3A_191 : i32 to vector<16xi32>
      %add3A_193 = arith.addi %add3A_169, %add3A_192 : vector<16xi32>
      %gather3A_194 = tpu.vector_load_idx %arg6[%add3A_193] : memref<16896xf32, #tpu.memory_space<vmem>>[vector<16xi32>], vector<16xf32>,
      %add3A_195 = arith.addf %add3A_190, %gather3A_194 : vector<16xf32>
      %add3A_196 = arith.constant 5 : i32
      %add3A_197 = vector.broadcast %add3A_196 : i32 to vector<16xi32>
      %add3A_198 = arith.addi %add3A_169, %add3A_197 : vector<16xi32>
      %gather3A_199 = tpu.vector_load_idx %arg6[%add3A_198] : memref<16896xf32, #tpu.memory_space<vmem>>[vector<16xi32>], vector<16xf32>,
      %add3A_200 = arith.addf %add3A_195, %gather3A_199 : vector<16xf32>
      %add3A_201 = arith.constant 6 : i32
      %add3A_202 = vector.broadcast %add3A_201 : i32 to vector<16xi32>
      %add3A_203 = arith.addi %add3A_169, %add3A_202 : vector<16xi32>
      %gather3A_204 = tpu.vector_load_idx %arg6[%add3A_203] : memref<16896xf32, #tpu.memory_space<vmem>>[vector<16xi32>], vector<16xf32>,
      %add3A_205 = arith.addf %add3A_200, %gather3A_204 : vector<16xf32>
      %add3A_206 = arith.constant 7 : i32
      %add3A_207 = vector.broadcast %add3A_206 : i32 to vector<16xi32>
      %add3A_208 = arith.addi %add3A_169, %add3A_207 : vector<16xi32>
      %gather3A_209 = tpu.vector_load_idx %arg6[%add3A_208] : memref<16896xf32, #tpu.memory_space<vmem>>[vector<16xi32>], vector<16xf32>,
      %add3A_210 = arith.addf %add3A_205, %gather3A_209 : vector<16xf32>
      %add3A_211 = arith.constant 8 : i32
      %add3A_212 = vector.broadcast %add3A_211 : i32 to vector<16xi32>
      %add3A_213 = arith.addi %add3A_169, %add3A_212 : vector<16xi32>
      %gather3A_214 = tpu.vector_load_idx %arg6[%add3A_213] : memref<16896xf32, #tpu.memory_space<vmem>>[vector<16xi32>], vector<16xf32>,
      %add3A_215 = arith.addf %add3A_210, %gather3A_214 : vector<16xf32>
      %add3A_216 = arith.constant 9 : i32
      %add3A_217 = vector.broadcast %add3A_216 : i32 to vector<16xi32>
      %add3A_218 = arith.addi %add3A_169, %add3A_217 : vector<16xi32>
      %gather3A_219 = tpu.vector_load_idx %arg6[%add3A_218] : memref<16896xf32, #tpu.memory_space<vmem>>[vector<16xi32>], vector<16xf32>,
      %add3A_220 = arith.addf %add3A_215, %gather3A_219 : vector<16xf32>
      %add3A_221 = arith.constant 10 : i32
      %add3A_222 = vector.broadcast %add3A_221 : i32 to vector<16xi32>
      %add3A_223 = arith.addi %add3A_169, %add3A_222 : vector<16xi32>
      %gather3A_224 = tpu.vector_load_idx %arg6[%add3A_223] : memref<16896xf32, #tpu.memory_space<vmem>>[vector<16xi32>], vector<16xf32>,
      %add3A_225 = arith.addf %add3A_220, %gather3A_224 : vector<16xf32>
      %add3A_226 = arith.constant 11 : i32
      %add3A_227 = vector.broadcast %add3A_226 : i32 to vector<16xi32>
      %add3A_228 = arith.addi %add3A_169, %add3A_227 : vector<16xi32>
      %gather3A_229 = tpu.vector_load_idx %arg6[%add3A_228] : memref<16896xf32, #tpu.memory_space<vmem>>[vector<16xi32>], vector<16xf32>,
      %add3A_230 = arith.addf %add3A_225, %gather3A_229 : vector<16xf32>
      %add3A_231 = arith.constant 12 : i32
      %add3A_232 = vector.broadcast %add3A_231 : i32 to vector<16xi32>
      %add3A_233 = arith.addi %add3A_169, %add3A_232 : vector<16xi32>
      %gather3A_234 = tpu.vector_load_idx %arg6[%add3A_233] : memref<16896xf32, #tpu.memory_space<vmem>>[vector<16xi32>], vector<16xf32>,
      %add3A_235 = arith.addf %add3A_230, %gather3A_234 : vector<16xf32>
      %add3A_236 = arith.constant 13 : i32
      %add3A_237 = vector.broadcast %add3A_236 : i32 to vector<16xi32>
      %add3A_238 = arith.addi %add3A_169, %add3A_237 : vector<16xi32>
      %gather3A_239 = tpu.vector_load_idx %arg6[%add3A_238] : memref<16896xf32, #tpu.memory_space<vmem>>[vector<16xi32>], vector<16xf32>,
      %add3A_240 = arith.addf %add3A_235, %gather3A_239 : vector<16xf32>
      %add3A_241 = arith.constant 14 : i32
      %add3A_242 = vector.broadcast %add3A_241 : i32 to vector<16xi32>
      %add3A_243 = arith.addi %add3A_169, %add3A_242 : vector<16xi32>
      %gather3A_244 = tpu.vector_load_idx %arg6[%add3A_243] : memref<16896xf32, #tpu.memory_space<vmem>>[vector<16xi32>], vector<16xf32>,
      %add3A_245 = arith.addf %add3A_240, %gather3A_244 : vector<16xf32>
      %add3A_246 = arith.constant 15 : i32
      %add3A_247 = vector.broadcast %add3A_246 : i32 to vector<16xi32>
      %add3A_248 = arith.addi %add3A_169, %add3A_247 : vector<16xi32>
      %gather3A_249 = tpu.vector_load_idx %arg6[%add3A_248] : memref<16896xf32, #tpu.memory_space<vmem>>[vector<16xi32>], vector<16xf32>,
      %add3A_250 = arith.addf %add3A_245, %gather3A_249 : vector<16xf32>
      %mul3A_251 = arith.constant 16 : i32
      %mul3A_252 = arith.muli %scan3A_159, %mul3A_251 : i32
      %add3A_253 = arith.constant 640 : i32
      %add3A_254 = arith.addi %add3A_253, %mul3A_252 : i32
      %swap3A = arith.index_cast %add3A_254 : i32 to index
      %swap3A_255 = tpu.vector_load %arg7[%swap3A] {strides = array<i32>} : memref<1280xf32, #tpu.memory_space<vmem>>, vector<16xf32>,
      tpu.vector_store %arg7[%swap3A], %add3A_250 {strides = array<i32>} : memref<1280xf32, #tpu.memory_space<vmem>>, vector<16xf32>,
      %scan3A_256 = arith.constant 0 : i32
      scf.yield %scan3A_256 : i32
    }
    %scan3A_158 = arith.constant 33 : i32
    "tpu.region"() ({
      %run_scoped3A = tpu.sem_alloc : memref<!tpu.dma_semaphore, #tpu.memory_space<semaphore_mem>>
      %dma_start3A_159 = arith.constant 0 : i32
      %dma_start3A_160 = tpu.memref_slice %arg4[%add3A, %dma_start3A_159] : memref<32x1280xf32, #tpu.memory_space<hbm>> -> memref<1x1280xf32, #tpu.memory_space<hbm>>
      %dma_start3A_161 = tpu.memref_squeeze %dma_start3A_160 : memref<1x1280xf32, #tpu.memory_space<hbm>> -> memref<1280xf32, #tpu.memory_space<hbm>>
      %dma_start3A_162 = arith.constant 0 : i32
      %dma_start3A_163 = tpu.memref_slice %arg4[%add3A, %dma_start3A_162] : memref<32x1280xf32, #tpu.memory_space<hbm>> -> memref<1x1280xf32, #tpu.memory_space<hbm>>
      %dma_start3A_164 = tpu.memref_squeeze %dma_start3A_163 : memref<1x1280xf32, #tpu.memory_space<hbm>> -> memref<1280xf32, #tpu.memory_space<hbm>>
      tpu.enqueue_dma source(%arg7 : memref<1280xf32, #tpu.memory_space<vmem>>) target(%dma_start3A_164 : memref<1280xf32, #tpu.memory_space<hbm>>) target_semaphore(%run_scoped3A : memref<!tpu.dma_semaphore, #tpu.memory_space<semaphore_mem>>)
      %dma_wait3A_165 = arith.constant 0 : i32
      %dma_wait3A_166 = tpu.memref_slice %arg4[%add3A, %dma_wait3A_165] : memref<32x1280xf32, #tpu.memory_space<hbm>> -> memref<1x1280xf32, #tpu.memory_space<hbm>>
      %dma_wait3A_167 = tpu.memref_squeeze %dma_wait3A_166 : memref<1x1280xf32, #tpu.memory_space<hbm>> -> memref<1280xf32, #tpu.memory_space<hbm>>
      %dma_wait3A_168 = arith.constant 0 : i32
      %dma_wait3A_169 = tpu.memref_slice %arg4[%add3A, %dma_wait3A_168] : memref<32x1280xf32, #tpu.memory_space<hbm>> -> memref<1x1280xf32, #tpu.memory_space<hbm>>
      %dma_wait3A_170 = tpu.memref_squeeze %dma_wait3A_169 : memref<1x1280xf32, #tpu.memory_space<hbm>> -> memref<1280xf32, #tpu.memory_space<hbm>>
      tpu.wait_dma2 semaphore(%run_scoped3A : memref<!tpu.dma_semaphore, #tpu.memory_space<semaphore_mem>>) src(%arg7 : memref<1280xf32, #tpu.memory_space<vmem>>) dst(%dma_wait3A_170 : memref<1280xf32, #tpu.memory_space<hbm>>)
      tpu.yield
    }) : () -> ()
    return
  }
}

module attributes {stable_mosaic.version = 14 : i64} {
  func.func @_mse_body(%arg0: memref<32x1280xf32, #tpu.memory_space<vmem>>, %arg1: memref<1x1xf32, #tpu.memory_space<smem>>) attributes {dimension_semantics = [], scalar_prefetch = 0 : i64, scratch_operands = 0 : i64, tpu.core_type = #tpu.core_type<tc>} {
    %get3A = arith.constant 0 : index
    %get3A_0 = arith.constant 0 : index
    %get3A_1 = vector.load %arg0[%get3A, %get3A_0] : memref<32x1280xf32, #tpu.memory_space<vmem>>, vector<32x1280xf32>
    %reduce_sum3A = arith.constant dense<0.000000e+00> : vector<1280xf32>
    %reduce_sum3A_2 = vector.multi_reduction <add>, %get3A_1, %reduce_sum3A [0] : vector<32x1280xf32> to vector<1280xf32>
    %broadcast_in_dim3A = vector.shape_cast %reduce_sum3A_2 : vector<1280xf32> to vector<1x1280xf32>
    %slice3A = vector.extract_strided_slice %broadcast_in_dim3A {offsets = [0, 0], sizes = [1, 512], strides = [1, 1]} : vector<1x1280xf32> to vector<1x512xf32>
    %slice3A_3 = vector.extract_strided_slice %broadcast_in_dim3A {offsets = [0, 640], sizes = [1, 512], strides = [1, 1]} : vector<1x1280xf32> to vector<1x512xf32>
    %sub3A = arith.subf %slice3A, %slice3A_3 : vector<1x512xf32>
    %mul3A = arith.mulf %sub3A, %sub3A : vector<1x512xf32>
    %reduce_sum3A_4 = vector.shape_cast %mul3A : vector<1x512xf32> to vector<1x1x512xf32>
    %reduce_sum3A_5 = arith.constant dense<0.000000e+00> : vector<1xf32>
    %reduce_sum3A_6 = vector.multi_reduction <add>, %reduce_sum3A_4, %reduce_sum3A_5 [1, 2] : vector<1x1x512xf32> to vector<1xf32>
    %reduce_sum3A_7 = vector.shape_cast %reduce_sum3A_6 : vector<1xf32> to vector<1x1x1xf32>
    %reduce_sum3A_8 = vector.extract %reduce_sum3A_7[0, 0, 0] : f32 from vector<1x1x1xf32>
    %mul3A_9 = arith.constant 7.04838118E-18 : f32
    %mul3A_10 = arith.mulf %reduce_sum3A_8, %mul3A_9 : f32
    %swap3A = arith.constant 0 : index
    %swap3A_11 = arith.constant 0 : index
    %swap3A_12 = memref.load %arg1[%swap3A, %swap3A_11] : memref<1x1xf32, #tpu.memory_space<smem>>
    memref.store %mul3A_10, %arg1[%swap3A, %swap3A_11] : memref<1x1xf32, #tpu.memory_space<smem>>
    return
  }
}

module attributes {stable_mosaic.version = 14 : i64} {
  func.func @_codes_body(%arg0: i32, %arg1: memref<1x512x512xf32, #tpu.memory_space<vmem>>, %arg2: memref<1x512x512xf32, #tpu.memory_space<vmem>>, %arg3: memref<1x176x512xi32, #tpu.memory_space<vmem>>, %arg4: memref<1x176x512xi32, #tpu.memory_space<vmem>>) attributes {dimension_semantics = [#tpu.dimension_semantics<arbitrary>], iteration_bounds = array<i64: 16>, scalar_prefetch = 0 : i64, scratch_operands = 0 : i64, tpu.core_type = #tpu.core_type<tc>, window_params = [{transform_indices = @transform_0, window_bounds = array<i64: 1, 512, 512>}, {transform_indices = @transform_1, window_bounds = array<i64: 1, 512, 512>}, {transform_indices = @transform_2, window_bounds = array<i64: 1, 176, 512>}, {transform_indices = @transform_3, window_bounds = array<i64: 1, 176, 512>}]} {
    %get3A = arith.constant 0 : index
    %get3A_0 = arith.constant 0 : index
    %get3A_1 = arith.constant 0 : index
    %get3A_2 = vector.load %arg1[%get3A, %get3A_0, %get3A_1] : memref<1x512x512xf32, #tpu.memory_space<vmem>>, vector<1x512x512xf32>
    %get3A_3 = vector.shape_cast %get3A_2 : vector<1x512x512xf32> to vector<512x512xf32>
    %gt3A = arith.constant 5.96046448E-8 : f32
    %gt3A_4 = vector.broadcast %gt3A : f32 to vector<512x512xf32>
    %gt3A_5 = arith.cmpf ogt, %get3A_3, %gt3A_4 : vector<512x512xf32>
    %convert_element_type3A = arith.extui %gt3A_5 : vector<512x512xi1> to vector<512x512xi32>
    %slice3A = vector.extract_strided_slice %convert_element_type3A {offsets = [0, 0], sizes = [512, 510], strides = [1, 1]} : vector<512x512xi32> to vector<512x510xi32>
    %shift_left3A = arith.constant 2 : i32
    %shift_left3A_6 = vector.broadcast %shift_left3A : i32 to vector<512x510xi32>
    %shift_left3A_7 = arith.shli %slice3A, %shift_left3A_6 : vector<512x510xi32>
    %slice3A_8 = vector.extract_strided_slice %convert_element_type3A {offsets = [0, 1], sizes = [512, 510], strides = [1, 1]} : vector<512x512xi32> to vector<512x510xi32>
    %shift_left3A_9 = arith.constant 1 : i32
    %shift_left3A_10 = vector.broadcast %shift_left3A_9 : i32 to vector<512x510xi32>
    %shift_left3A_11 = arith.shli %slice3A_8, %shift_left3A_10 : vector<512x510xi32>
    %add3A = arith.addi %shift_left3A_7, %shift_left3A_11 : vector<512x510xi32>
    %slice3A_12 = vector.extract_strided_slice %convert_element_type3A {offsets = [0, 2], sizes = [512, 510], strides = [1, 1]} : vector<512x512xi32> to vector<512x510xi32>
    %add3A_13 = arith.addi %add3A, %slice3A_12 : vector<512x510xi32>
    %slice3A_14 = vector.extract_strided_slice %add3A_13 {offsets = [0, 0], sizes = [510, 510], strides = [1, 1]} : vector<512x510xi32> to vector<510x510xi32>
    %shift_left3A_15 = arith.constant 6 : i32
    %shift_left3A_16 = vector.broadcast %shift_left3A_15 : i32 to vector<510x510xi32>
    %shift_left3A_17 = arith.shli %slice3A_14, %shift_left3A_16 : vector<510x510xi32>
    %slice3A_18 = vector.extract_strided_slice %add3A_13 {offsets = [1, 0], sizes = [510, 510], strides = [1, 1]} : vector<512x510xi32> to vector<510x510xi32>
    %shift_left3A_19 = arith.constant 3 : i32
    %shift_left3A_20 = vector.broadcast %shift_left3A_19 : i32 to vector<510x510xi32>
    %shift_left3A_21 = arith.shli %slice3A_18, %shift_left3A_20 : vector<510x510xi32>
    %add3A_22 = arith.addi %shift_left3A_17, %shift_left3A_21 : vector<510x510xi32>
    %slice3A_23 = vector.extract_strided_slice %add3A_13 {offsets = [2, 0], sizes = [510, 510], strides = [1, 1]} : vector<512x510xi32> to vector<510x510xi32>
    %add3A_24 = arith.addi %add3A_22, %slice3A_23 : vector<510x510xi32>
    %broadcast_in_dim3A = arith.constant 512 : i32
    %broadcast_in_dim3A_25 = vector.broadcast %broadcast_in_dim3A : i32 to vector<510x2xi32>
    %concatenate3A = tpu.concatenate %add3A_24, %broadcast_in_dim3A_25 in 1 : vector<510x510xi32>, vector<510x2xi32> -> vector<510x512xi32>
    %broadcast_in_dim3A_26 = arith.constant 512 : i32
    %broadcast_in_dim3A_27 = vector.broadcast %broadcast_in_dim3A_26 : i32 to vector<18x512xi32>
    %concatenate3A_28 = tpu.concatenate %concatenate3A, %broadcast_in_dim3A_27 in 0 : vector<510x512xi32>, vector<18x512xi32> -> vector<528x512xi32>
    %slice3A_29 = vector.extract_strided_slice %concatenate3A_28 {offsets = [0, 0], sizes = [176, 512], strides = [1, 1]} : vector<528x512xi32> to vector<176x512xi32>
    %slice3A_30 = vector.extract_strided_slice %concatenate3A_28 {offsets = [176, 0], sizes = [176, 512], strides = [1, 1]} : vector<528x512xi32> to vector<176x512xi32>
    %shift_left3A_31 = arith.constant 10 : i32
    %shift_left3A_32 = vector.broadcast %shift_left3A_31 : i32 to vector<176x512xi32>
    %shift_left3A_33 = arith.shli %slice3A_30, %shift_left3A_32 : vector<176x512xi32>
    %or3A = arith.ori %slice3A_29, %shift_left3A_33 : vector<176x512xi32>
    %slice3A_34 = vector.extract_strided_slice %concatenate3A_28 {offsets = [352, 0], sizes = [176, 512], strides = [1, 1]} : vector<528x512xi32> to vector<176x512xi32>
    %shift_left3A_35 = arith.constant 20 : i32
    %shift_left3A_36 = vector.broadcast %shift_left3A_35 : i32 to vector<176x512xi32>
    %shift_left3A_37 = arith.shli %slice3A_34, %shift_left3A_36 : vector<176x512xi32>
    %or3A_38 = arith.ori %or3A, %shift_left3A_37 : vector<176x512xi32>
    %swap3A = arith.constant 0 : index
    %swap3A_39 = arith.constant 0 : index
    %swap3A_40 = arith.constant 0 : index
    %swap3A_41 = vector.load %arg3[%swap3A, %swap3A_39, %swap3A_40] : memref<1x176x512xi32, #tpu.memory_space<vmem>>, vector<1x176x512xi32>
    %swap3A_42 = vector.shape_cast %swap3A_41 : vector<1x176x512xi32> to vector<176x512xi32>
    %swap3A_43 = vector.shape_cast %or3A_38 : vector<176x512xi32> to vector<1x176x512xi32>
    tpu.vector_store %arg3[%swap3A, %swap3A_39, %swap3A_40], %swap3A_43 {strides = array<i32>} : memref<1x176x512xi32, #tpu.memory_space<vmem>>, vector<1x176x512xi32>,
    %get3A_44 = arith.constant 0 : index
    %get3A_45 = arith.constant 0 : index
    %get3A_46 = arith.constant 0 : index
    %get3A_47 = vector.load %arg2[%get3A_44, %get3A_45, %get3A_46] : memref<1x512x512xf32, #tpu.memory_space<vmem>>, vector<1x512x512xf32>
    %get3A_48 = vector.shape_cast %get3A_47 : vector<1x512x512xf32> to vector<512x512xf32>
    %gt3A_49 = arith.constant 5.96046448E-8 : f32
    %gt3A_50 = vector.broadcast %gt3A_49 : f32 to vector<512x512xf32>
    %gt3A_51 = arith.cmpf ogt, %get3A_48, %gt3A_50 : vector<512x512xf32>
    %convert_element_type3A_52 = arith.extui %gt3A_51 : vector<512x512xi1> to vector<512x512xi32>
    %slice3A_53 = vector.extract_strided_slice %convert_element_type3A_52 {offsets = [0, 0], sizes = [512, 510], strides = [1, 1]} : vector<512x512xi32> to vector<512x510xi32>
    %shift_left3A_54 = arith.constant 2 : i32
    %shift_left3A_55 = vector.broadcast %shift_left3A_54 : i32 to vector<512x510xi32>
    %shift_left3A_56 = arith.shli %slice3A_53, %shift_left3A_55 : vector<512x510xi32>
    %slice3A_57 = vector.extract_strided_slice %convert_element_type3A_52 {offsets = [0, 1], sizes = [512, 510], strides = [1, 1]} : vector<512x512xi32> to vector<512x510xi32>
    %shift_left3A_58 = arith.constant 1 : i32
    %shift_left3A_59 = vector.broadcast %shift_left3A_58 : i32 to vector<512x510xi32>
    %shift_left3A_60 = arith.shli %slice3A_57, %shift_left3A_59 : vector<512x510xi32>
    %add3A_61 = arith.addi %shift_left3A_56, %shift_left3A_60 : vector<512x510xi32>
    %slice3A_62 = vector.extract_strided_slice %convert_element_type3A_52 {offsets = [0, 2], sizes = [512, 510], strides = [1, 1]} : vector<512x512xi32> to vector<512x510xi32>
    %add3A_63 = arith.addi %add3A_61, %slice3A_62 : vector<512x510xi32>
    %slice3A_64 = vector.extract_strided_slice %add3A_63 {offsets = [0, 0], sizes = [510, 510], strides = [1, 1]} : vector<512x510xi32> to vector<510x510xi32>
    %shift_left3A_65 = arith.constant 6 : i32
    %shift_left3A_66 = vector.broadcast %shift_left3A_65 : i32 to vector<510x510xi32>
    %shift_left3A_67 = arith.shli %slice3A_64, %shift_left3A_66 : vector<510x510xi32>
    %slice3A_68 = vector.extract_strided_slice %add3A_63 {offsets = [1, 0], sizes = [510, 510], strides = [1, 1]} : vector<512x510xi32> to vector<510x510xi32>
    %shift_left3A_69 = arith.constant 3 : i32
    %shift_left3A_70 = vector.broadcast %shift_left3A_69 : i32 to vector<510x510xi32>
    %shift_left3A_71 = arith.shli %slice3A_68, %shift_left3A_70 : vector<510x510xi32>
    %add3A_72 = arith.addi %shift_left3A_67, %shift_left3A_71 : vector<510x510xi32>
    %slice3A_73 = vector.extract_strided_slice %add3A_63 {offsets = [2, 0], sizes = [510, 510], strides = [1, 1]} : vector<512x510xi32> to vector<510x510xi32>
    %add3A_74 = arith.addi %add3A_72, %slice3A_73 : vector<510x510xi32>
    %broadcast_in_dim3A_75 = arith.constant 512 : i32
    %broadcast_in_dim3A_76 = vector.broadcast %broadcast_in_dim3A_75 : i32 to vector<510x2xi32>
    %concatenate3A_77 = tpu.concatenate %add3A_74, %broadcast_in_dim3A_76 in 1 : vector<510x510xi32>, vector<510x2xi32> -> vector<510x512xi32>
    %broadcast_in_dim3A_78 = arith.constant 512 : i32
    %broadcast_in_dim3A_79 = vector.broadcast %broadcast_in_dim3A_78 : i32 to vector<18x512xi32>
    %concatenate3A_80 = tpu.concatenate %concatenate3A_77, %broadcast_in_dim3A_79 in 0 : vector<510x512xi32>, vector<18x512xi32> -> vector<528x512xi32>
    %slice3A_81 = vector.extract_strided_slice %concatenate3A_80 {offsets = [0, 0], sizes = [176, 512], strides = [1, 1]} : vector<528x512xi32> to vector<176x512xi32>
    %slice3A_82 = vector.extract_strided_slice %concatenate3A_80 {offsets = [176, 0], sizes = [176, 512], strides = [1, 1]} : vector<528x512xi32> to vector<176x512xi32>
    %shift_left3A_83 = arith.constant 10 : i32
    %shift_left3A_84 = vector.broadcast %shift_left3A_83 : i32 to vector<176x512xi32>
    %shift_left3A_85 = arith.shli %slice3A_82, %shift_left3A_84 : vector<176x512xi32>
    %or3A_86 = arith.ori %slice3A_81, %shift_left3A_85 : vector<176x512xi32>
    %slice3A_87 = vector.extract_strided_slice %concatenate3A_80 {offsets = [352, 0], sizes = [176, 512], strides = [1, 1]} : vector<528x512xi32> to vector<176x512xi32>
    %shift_left3A_88 = arith.constant 20 : i32
    %shift_left3A_89 = vector.broadcast %shift_left3A_88 : i32 to vector<176x512xi32>
    %shift_left3A_90 = arith.shli %slice3A_87, %shift_left3A_89 : vector<176x512xi32>
    %or3A_91 = arith.ori %or3A_86, %shift_left3A_90 : vector<176x512xi32>
    %swap3A_92 = arith.constant 0 : index
    %swap3A_93 = arith.constant 0 : index
    %swap3A_94 = arith.constant 0 : index
    %swap3A_95 = vector.load %arg4[%swap3A_92, %swap3A_93, %swap3A_94] : memref<1x176x512xi32, #tpu.memory_space<vmem>>, vector<1x176x512xi32>
    %swap3A_96 = vector.shape_cast %swap3A_95 : vector<1x176x512xi32> to vector<176x512xi32>
    %swap3A_97 = vector.shape_cast %or3A_91 : vector<176x512xi32> to vector<1x176x512xi32>
    tpu.vector_store %arg4[%swap3A_92, %swap3A_93, %swap3A_94], %swap3A_97 {strides = array<i32>} : memref<1x176x512xi32, #tpu.memory_space<vmem>>, vector<1x176x512xi32>,
    return
  }
  func.func @transform_0(%arg0: i32) -> (i32, i32, i32) {
    %c0_i32 = arith.constant 0 : i32
    %c0_i32_0 = arith.constant 0 : i32
    %c0_i32_1 = arith.constant 0 : i32
    return %arg0, %c0_i32, %c0_i32_0 : i32, i32, i32
  }
  func.func @transform_1(%arg0: i32) -> (i32, i32, i32) {
    %c0_i32 = arith.constant 0 : i32
    %c0_i32_0 = arith.constant 0 : i32
    %c0_i32_1 = arith.constant 0 : i32
    return %arg0, %c0_i32, %c0_i32_0 : i32, i32, i32
  }
  func.func @transform_2(%arg0: i32) -> (i32, i32, i32) {
    %c0_i32 = arith.constant 0 : i32
    %c0_i32_0 = arith.constant 0 : i32
    %c0_i32_1 = arith.constant 0 : i32
    return %arg0, %c0_i32, %c0_i32_0 : i32, i32, i32
  }
  func.func @transform_3(%arg0: i32) -> (i32, i32, i32) {
    %c0_i32 = arith.constant 0 : i32
    %c0_i32_0 = arith.constant 0 : i32
    %c0_i32_1 = arith.constant 0 : i32
    return %arg0, %c0_i32, %c0_i32_0 : i32, i32, i32
  }
}

</mosaic_0001>

<sc_bundles>
// kernel: kernel.5.cloned.1.call-start
scs
__scs_entry_jumppad:
0x0: {  	(pc) =	sbr.rel $0x88, $3  }
0x1: {  	(tag) =	ssettag $0x0;
	lr =	simm.s32 $0x1  }
0x2: {  	[smem:$0x3F9F] =	sst lr;
	_ =	strace $0xD0000000  }
0x3: {  	_ = 	snop  }
0x4: {  	_ = 	snop  }
0x5: {  	_ = 	snop  }
0x6: {  	_ = 	snop  }
0x7: {  	_ = 	snop  }
__scs_overlays_trampoline_lowered:
0x8: {  	[smem:$0x3FAE] =	sst s0  }
0x9: {  	[smem:$0x3FAF] =	sst s1  }
0xa: {  	[smem:$0x3FB0] =	sst s2  }
0xb: {  	[smem:$0x3FB1] =	sst s3  }
0xc: {  	[smem:$0x3FB2] =	sst s4  }
0xd: {  	[smem:$0x3FB3] =	sst s5  }
0xe: {  	[smem:$0x3FB4] =	sst s6  }
0xf: {  	[smem:$0x3FB5] =	sst s7  }
0x10: {  	[smem:$0x3FB6] =	sst s8  }
0x11: {  	[smem:$0x3FB7] =	sst s9;
	s0 =	simm.s32 @!p0 $0x0  }
0x12: {  	s1 =	sld [smem:$0x3F9D];
	s0 =	simm.s32 @p0 $0x1  }
0x13: {  	[smem:$0x3FB8] =	sst s0;
	s0 =	simm.s32 @!p1 $0x0  }
0x14: {  	s2 =	sld [smem:$0x3F9C];
	s0 =	simm.s32 @p1 $0x1  }
0x15: {  	[smem:$0x3FB9] =	sst s0;
	s0 =	simm.s32 @!p2 $0x0  }
0x16: {  	s3 =	sld [smem:$0x3FDB];
	s0 =	simm.s32 @p2 $0x1  }
0x17: {  	s4 =	simm.s32 $0x1BF5;
	[smem:$0x3FBB] =	sst s0  }
0x18: {  	s0 =	sld [smem:$0x3F9E];
	_ =	swait.ge [sflag:s4], $0x0  }
0x19: {  	s7 =	sld [smem:$0x3F9F]  }
0x1a: {  	s8 =	sadd.s32 $0xFFFFE003, lr  }
0x1b: {  	s9 =	sadd.s32 $0xFFFFFEF7, lr;
	s5 =	simm.s32 $0xFFFFFFFF;
	p2 =	slt.u32 s8, $0xFFFFF086  }
0x1c: {  	p1 =	slt.u32 s9, $0xF7A;
	s5 =	simm.s32 @!p2 $0x0  }
0x1d: {  	s5 =	simm.s32 @p1 $0x1;
	p0 =	seq.s32 s7, s2  }
0x1e: {  	s7 =	smul.u32 @!p0 $0xF7A, s2;
	p2 =	seq.s32 @!p0 s5, $0x0  }
0x1f: {  	s9 =	smul.u32 $0xF7A, s1;
	s8 =	simm.s32 @!p0 $0x1BF5;
	p2 =	por !p2, p0  }
0x20: {  	[sflag:s8] =	ssyncset.s32 @!p0 $0xFFFFF086;
	s6 =	sadd.s32 @!p0 s3, s7;
	s7 =	simm.s32 @!p0 $0x108  }
0x21: {  	s3 =	sadd.s32 s3, s9;
	s6 =	sadd.s32 @!p0 $0x88, s6;
	s7 =	simm.s32 @p2 $0x1082  }
0x22: {  	[simem:s7], [sflag:s8] =	dma.local @!p0 [hbm:s6], $0xF7A  }
0x23: {  	s9 =	sor.u32 $0xD0000000, s2;
	s6 =	simm.s32 $0x108;
	_ =	swait.ge @!p0 [sflag:s8], $0x0  }
0x24: {  	s3 =	sadd.s32 $0x88, s3;
	s6 =	simm.s32 @!p1 $0x1082;
	[sflag:s4] =	ssyncset.s32 $0xFFFFF086  }
0x25: {  	[simem:s6], [sflag:s4] =	dma.local [hbm:s3], $0xF7A  }
0x26: {  	[smem:$0x3F9F] =	sst s1;
	(tag) =	ssettag s2;
	_ =	strace s9  }
0x27: {  	s1 =	sld [smem:$0x3FAF]  }
0x28: {  	s2 =	sld [smem:$0x3FB0]  }
0x29: {  	s4 =	sld [smem:$0x3FB2]  }
0x2a: {  	p0 =	seq.s32 s5, $0x0;
	s5 =	sld [smem:$0x3FB3]  }
0x2b: {  	s6 =	sld [smem:$0x3FB4]  }
0x2c: {  	s7 =	sld [smem:$0x3FB5]  }
0x2d: {  	s3 =	simm.s32 $0x108;
	s8 =	sld [smem:$0x3FB6]  }
0x2e: {  	s3 =	simm.s32 @!p0 $0x1082;
	s9 =	sld [smem:$0x3FB7]  }
0x2f: {  	lr =	sadd.s32 s0, s3;
	s0 =	sld [smem:$0x3FAE]  }
0x30: {  	s3 =	sld [smem:$0x3FB1]  }
0x31: {  	[smem:$0x3FBA] =	sst s10  }
0x32: {  	s10 =	sld [smem:$0x3FB8];
	_ =	sdelay $0x3  }
0x33: {  	p0 =	seq.s32 s10, $0x1;
	s10 =	sld [smem:$0x3FBA];
	_ =	sdelay $0x3  }
0x34: {  	[smem:$0x3FBA] =	sst s10  }
0x35: {  	s10 =	sld [smem:$0x3FB9];
	_ =	sdelay $0x3  }
0x36: {  	p1 =	seq.s32 s10, $0x1;
	s10 =	sld [smem:$0x3FBA];
	_ =	sdelay $0x3  }
0x37: {  	[smem:$0x3FBA] =	sst s10  }
0x38: {  	s10 =	sld [smem:$0x3FBB]  }
0x39: {  	_ = 	snop;
	(pc) =	sbr.ind lr, $3  }
0x3a: {  	_ = 	snop  }
0x3b: {  	_ = 	snop  }
0x3c: {  	p2 =	seq.s32 s10, $0x1;
	s10 =	sld [smem:$0x3FBA]  }
0x3d: {  	_ =	shalt  }
0x3e: {  	_ =	shalt  }
0x3f: {  	_ =	shalt  }
0x40: {  	_ =	shalt  }
0x41: {  	_ =	shalt  }
0x42: {  	_ =	shalt  }
0x43: {  	_ =	shalt  }
0x44: {  	_ =	shalt  }
0x45: {  	_ =	shalt  }
0x46: {  	_ =	shalt  }
0x47: {  	_ =	shalt  }
0x48: {  	_ =	shalt  }
0x49: {  	_ =	shalt  }
0x4a: {  	_ =	shalt  }
0x4b: {  	_ =	shalt  }
0x4c: {  	_ =	shalt  }
0x4d: {  	_ =	shalt  }
0x4e: {  	_ =	shalt  }
0x4f: {  	_ =	shalt  }
0x50: {  	_ =	shalt  }
0x51: {  	_ =	shalt  }
0x52: {  	_ =	shalt  }
0x53: {  	_ =	shalt  }
0x54: {  	_ =	shalt  }
0x55: {  	_ =	shalt  }
0x56: {  	_ =	shalt  }
0x57: {  	_ =	shalt  }
0x58: {  	_ =	shalt  }
0x59: {  	_ =	shalt  }
0x5a: {  	_ =	shalt  }
0x5b: {  	_ =	shalt  }
0x5c: {  	_ =	shalt  }
0x5d: {  	_ =	shalt  }
0x5e: {  	_ =	shalt  }
0x5f: {  	_ =	shalt  }
0x60: {  	_ =	shalt  }
0x61: {  	_ =	shalt  }
0x62: {  	_ =	shalt  }
0x63: {  	_ =	shalt  }
0x64: {  	_ =	shalt  }
0x65: {  	_ =	shalt  }
0x66: {  	_ =	shalt  }
0x67: {  	_ =	shalt  }
0x68: {  	_ =	shalt  }
0x69: {  	_ =	shalt  }
0x6a: {  	_ =	shalt  }
0x6b: {  	_ =	shalt  }
0x6c: {  	_ =	shalt  }
0x6d: {  	_ =	shalt  }
0x6e: {  	_ =	shalt  }
0x6f: {  	_ =	shalt  }
0x70: {  	_ =	shalt  }
0x71: {  	_ =	shalt  }
0x72: {  	_ =	shalt  }
0x73: {  	_ =	shalt  }
0x74: {  	_ =	shalt  }
0x75: {  	_ =	shalt  }
0x76: {  	_ =	shalt  }
0x77: {  	_ =	shalt  }
0x78: {  	_ =	shalt  }
0x79: {  	_ =	shalt  }
0x7a: {  	_ =	shalt  }
0x7b: {  	_ =	shalt  }
0x7c: {  	_ =	shalt  }
0x7d: {  	_ =	shalt  }
0x7e: {  	_ =	shalt  }
0x7f: {  	_ =	shalt  }
0x80: {  	_ =	shalt  }
0x81: {  	_ =	shalt  }
0x82: {  	_ =	shalt  }
0x83: {  	_ =	shalt  }
0x84: {  	_ =	shalt  }
0x85: {  	_ =	shalt  }
0x86: {  	_ =	shalt  }
0x87: {  	_ =	shalt  }
.Lfunc_end0:
.L_simem_size_0:
called_computation_lowered:
.L_overlay_start_0:
0x88: {  	s2 =	sld [smem:$0x3FD9]  }
0x89: {  	s3 =	sld [smem:$0x3FFE];
	_ =	sdelay $0x1  }
0x8a: {  	s1 =	srdreg.scid  }
0x8b: {  	s0 =	sand.u32 $0x1, s1  }
0x8c: {  	s16 =	sshll.u32 s0, $0xA;
	s2 =	sadd.s32 s3, s2  }
0x8d: {  	s2 =	sadd.s32 s2, s16  }
0x8e: {  	[smem:$0x3FC6] =	sst s2  }
0x8f: {  	_ = 	snop  }
0x90: {  	(tm) =	ssettm $0x1  }
0x91: {  	s17 =	sld [smem:$0x3FFB];
	_ =	sdelay $0x3  }
0x92: {  	_ =	strace s17  }
0x93: {  	s2 =	sld [smem:$0x3FFC];
	_ =	sdelay $0x3  }
0x94: {  	_ =	strace s2  }
0x95: {  	s2 =	sld [smem:$0x3FFD];
	_ =	sdelay $0x3  }
0x96: {  	_ =	strace s2  }
0x97: {  	_ =	strace $0x8FFFFFFF  }
0x98: {  	s18 =	sld [smem:$0x3FDB];
	_ =	sdelay $0x1  }
0x99: {  	s19 =	simm.s32 $_scs_section_size  }
0x9a: {  	s4 =	simm.s32 $_size__tile_overlayer_lowered;
	s5 =	simm.s32 $_tile_overlayer_lowered  }
0x9b: {  	s22 =	simm.s32 $0x1BFF;
	s21 =	sshll.u32 s5, $0x1;
	s2 =	sadd.s32 s19, s18  }
0x9c: {  	s6 =	simm.s32 $0x0;
	s20 =	sshll.u32 s4, $0x1;
	s4 =	sadd.s32 s21, s2  }
0x9d: {  	[timem:s6], [sflag:s22] =	dma.local [hbm:s4], s20  }
0x9e: {  	_ =	swait.ge [sflag:s22], s20  }
0x9f: {  	s3 =	ssub.s32 $0x0, s20;
	[sflag:s22] =	ssyncset.done $0x0  }
0xa0: {  	[sflag:s22] =	ssyncadd.s32 s3;
	_ =	sdelay $0x1  }
0xa1: {  	s23 =	simm.s32 $0x1B8B  }
0xa2: {  	_ =	swait.ge [sflag:s23], $0x1  }
0xa3: {  	[sflag:s23] =	ssyncset.done $0x0  }
0xa4: {  	s25 =	simm.s32 $0x1B8E;
	s24 =	sld [smem:$0x3FFE];
	[sflag:s23] =	ssyncadd.s32 $0xFFFFFFFF  }
0xa5: {  	s26 =	simm.s32 $execute0_lowered;
	[smem:$0x3FD2] =	sst s25  }
0xa6: {  	s4 =	sshll.u32 s26, $0x1;
	_ =	strace $0x80000046;
	[dreg:$0x1] =	wrdreg $0xFFFFFFFF  }
0xa7: {  	s28 =	simm.s32 $_size_execute0_lowered;
	s2 =	sadd.s32 s2, s4;
	[dreg:$0x0] =	wrdreg $0x0  }
0xa8: {  	s4 =	sshll.u32 s28, $0x1;
	[dreg:$0x2] =	wrdreg s2  }
0xa9: {  	[dreg:$0x3] =	wrdreg s4  }
0xaa: {  	[dreg:$0x4] =	wrdreg $0xC0  }
0xab: {  	_ =	task [dreg:s6], $0x5FFFF  }
0xac: {  	[dreg:$0x1] =	wrdreg $0xFFFFFFFF  }
0xad: {  	[dreg:$0x0] =	wrdreg $0x60  }
0xae: {  	[dreg:$0x2] =	wrdreg s24  }
0xaf: {  	[dreg:$0x3] =	wrdreg $0x9  }
0xb0: {  	_ =	task.clear_ibuf [dreg:s6], $0x4FFFF;
	_ =	strace $0x90000046  }
0xb1: {  	s29 =	simm.s32 $0x9;
	_ =	strace $0x80000048  }
0xb2: {  	_ =	swait.ge [sflag:s29], $0x1  }
0xb3: {  	[sflag:s29] =	ssyncadd.s32 $0xFFFFFFFF  }
0xb4: {  	_ =	strace $0x90000048  }
0xb5: {  	_ =	sfence  }
0xb6: {  	s30 =	sld [smem:$0x0];
	_ =	sdelay $0x2  }
0xb7: {  	s31 =	sshll.u32 s1, $0xD;
	s1 =	sshrl.u32 s1, $0x2  }
0xb8: {  	s3 =	sand.u32 $0x4000, s31;
	s1 =	sadd.s32 s1, s30  }
0xb9: {  	s0 =	sor.u32 s3, s0;
	s1 =	sshll.u32 s1, $0x11  }
0xba: {  	s0 =	sor.u32 s1, s0  }
0xbb: {  	s0 =	sadd.s32 $0x8F2B, s0  }
0xbc: {  	[sflag:s0] =	ssyncadd.remote.s32 $0x1  }
0xbd: {  	_ =	sfence.sel $0xFFFF  }
0xbe: {  	[dreg:$0x0] =	wrdreg $0xFFFFFFFF;
	(pc) =	sbr.abs _section_cstart, $3  }
0xbf: {  	[dreg:$0x1] =	wrdreg $0xFFFFFFFF  }
0xc0: {  	_ =	task.clear_ibuf [dreg:s6], $0x2FFFF;
	_ =	strace $0x9FFFFFFF  }
0xc1: {  	(tm) =	ssettm $0x7FFFFFFF  }
tec
execute0_lowered:
.L_overlay_start_1:
0x0: {  	(tag) =	ssettag $0x1  }
0x1: {  	s3 =	rddreg [dreg:$0x0]  }
0x2: {  	s0 =	rddreg [dreg:$0x1];
	s2 =	simm.s32 $0x0;
	s4 =	srdreg.scid  }
0x3: {  	s1 =	stileid.u32;
	s9 =	simm.s32 $0xB000;
	s12 =	simm.s32 $0x2  }
0x4: {  	s13 =	simm.s32 $0x80;
	s14 =	simm.s32 $0x400;
	s15 =	simm.s32 $0x10200  }
0x5: {  	s16 =	simm.s32 $0x3;
	[smem:$0x7FF] =	sst s2;
	s4 =	sand.u32 $0x1, s4  }
0x6: {  	s5 =	sshrl.u32 s1, $0x2;
	s6 =	sshll.u32 s1, $0x8;
	s8 =	smul.u32 $0x16000, s1  }
0x7: {  	s10 =	sadd.s32 $0xC00, s3;
	s26 =	sadd.s32 $0x2CC00, s3;
	_ =	strace $0x80000047  }
0x8: {  	s5 =	smul.u32 $0x2800, s5;
	s7 =	sshll.u32 s4, $0x7;
	s6 =	sand.u32 $0x300, s6  }
0x9: {  	p0 =	seq.s32 s4, $0x1;
	s4 =	ssub.s32 $0x2, s4;
	s6 =	sor.u32 s7, s6  }
0xa: {  	s9 =	simm.s32 @!p0 $0x0;
	s30 =	sshrl.u32 s4, $0x1;
	s5 =	sor.u32 s5, s6  }
0xb: {  	s28 =	sadd.s32 s9, s8;
	s11 =	ssub.s32 s4, s30;
	s9 =	simm.s32 $0x6000  }
0xc: {  	s5 =	sshrl.u32 s5, $0x3;
	s6 =	sshrl.u32 s28, $0x3;
	s8 =	smax.u32 s11, $0x1  }
0xd: {  	s11 =	simm.s32 $0xC000;
	s29 =	sadd.s32 s5, s3;
	s31 =	sadd.s32 $0xC00, s6  }
0xe: {  	v0 =	vlaneseq.u32;
	s3 =	sadd.s32 s10, s6;
	s5 =	sadd.s32 s26, s6;
	s4 =	sadd.s32 s10, s31  }
0xf: {  	v1 =	vimm.f32 $0.0e+00;
	v2 =	vimm.f32 $1.000000000e+00;
	v3 =	vor.u32 $0x2100, v0;
	s6 =	sadd.s32 s26, s31;
	s7 =	sadd.s32 $0x58C00, s29;
	s10 =	simm.s32 $0x1  }
.LBB2_1:
0x10: {  	s17 =	simm.s32 $0xC040  }
0x11: {  	[tilespmem:s17+$0xFFFFFFC0] =	vst v1  }
0x12: {  	[tilespmem:s17+$0x30] =	vst v1  }
0x13: {  	[tilespmem:s17+$0x20] =	vst v1  }
0x14: {  	[tilespmem:s17+$0x10] =	vst v1  }
0x15: {  	[tilespmem:s17+$0x0] =	vst v1  }
0x16: {  	[tilespmem:s17+$0xFFFFFFF0] =	vst v1  }
0x17: {  	s18 =	simm.s32 $0x0;
	[tilespmem:s17+$0xFFFFFFE0] =	vst v1  }
.LBB2_2:
0x18: {  	s18 =	sadd.s32 $0x8, s18;
	[tilespmem:s17+$0xFFFFFFD0] =	vst v1;
	s17 =	sadd.s32 $0x80, s17  }
0x19: {  	[tilespmem:s17+$0xFFFFFFC0] =	vst v1;
	p0 =	slt.u32 s18, $0x418  }
0x1a: {  	[tilespmem:s17+$0x30] =	vst v1  }
.Ltmp0:
0x1b: {  	[tilespmem:s17+$0x20] =	vst v1;
	(pc) =	sbr.rel @p0 .LBB2_2-.Ltmp0, $4  }
0x1c: {  	[tilespmem:s17+$0x10] =	vst v1  }
0x1d: {  	[tilespmem:s17+$0x0] =	vst v1  }
0x1e: {  	[tilespmem:s17+$0xFFFFFFF0] =	vst v1  }
0x1f: {  	[tilespmem:s17+$0xFFFFFFE0] =	vst v1  }
0x20: {  	[tilespmem:s17+$0xFFFFFFD0] =	vst v1;
	s17 =	simm.s32 $0x0  }
0x21: {  	[tilespmem:s17], [sflag:$0x1] =	stream.linear.gather [hbm4b:s3+s17], $0x6000, $0x38;
	[tilespmem:$0x10700] =	vst v63  }
0x22: {  	s18 =	simm.s32 $0x0;
	s20 =	simm.s32 $0x0  }
0x23: {  	[tilespmem:s9], [sflag:$0x2] =	stream.linear.gather [hbm4b:s4+s17], $0x5000, $0x38;
	[tilespmem:$0x10700] =	vst v63  }
0x24: {  	s18 =	sand.u32 $0x7000, s18;
	s19 =	sand.u32 $0x800, s17;
	_ =	swait.ge [sflag:s10], $0x6000  }
0x25: {  	s20 =	sand.u32 $0x380, s20;
	s18 =	sor.u32 s19, s18;
	[sflag:s10] =	ssyncset.done $0x0  }
0x26: {  	s18 =	sor.u32 s20, s18;
	[sflag:s10] =	ssyncadd.s32 $0xFFFFA000  }
0x27: {  	v4 =	vld [tilespmem:s18+$0x470]  }
0x28: {  	v5 =	vld [tilespmem:s18+$0x0];
	_ =	sdelay $0x1  }
0x29: {  	v6 =	vld [tilespmem:s18+$0x10]  }
0x2a: {  	v8 =	vld [tilespmem:s18+$0x20]  }
0x2b: {  	v10 =	vld [tilespmem:s18+$0x30]  }
0x2c: {  	v12 =	vld [tilespmem:s18+$0x40];
	v7 =	vshll.u32 v4, $0x4;
	v9 =	vshrl.u32 v4, $0x6;
	v11 =	vshll.u32 v5, $0x4  }
0x2d: {  	v14 =	vld [tilespmem:s18+$0x50];
	v4 =	vshrl.u32 v4, $0x10;
	v13 =	vshrl.u32 v5, $0x6;
	v5 =	vshrl.u32 v5, $0x10  }
0x2e: {  	v16 =	vld [tilespmem:s18+$0x60];
	v15 =	vshll.u32 v6, $0x4;
	v17 =	vshrl.u32 v6, $0x6;
	v6 =	vshrl.u32 v6, $0x10  }
0x2f: {  	v18 =	vld [tilespmem:s18+$0x70];
	v19 =	vshll.u32 v8, $0x4;
	v20 =	vshrl.u32 v8, $0x6;
	v8 =	vshrl.u32 v8, $0x10  }
0x30: {  	v21 =	vld [tilespmem:s18+$0x400];
	v22 =	vshll.u32 v10, $0x4;
	v23 =	vshrl.u32 v10, $0x6;
	v10 =	vshrl.u32 v10, $0x10  }
0x31: {  	v24 =	vld [tilespmem:s18+$0x410];
	v25 =	vshll.u32 v12, $0x4;
	v26 =	vshrl.u32 v12, $0x6;
	v12 =	vshrl.u32 v12, $0x10  }
0x32: {  	v27 =	vld [tilespmem:s18+$0x420];
	v28 =	vshll.u32 v14, $0x4;
	v29 =	vshrl.u32 v14, $0x6;
	v14 =	vshrl.u32 v14, $0x10  }
0x33: {  	v32 =	vld [tilespmem:s18+$0x430];
	v30 =	vshll.u32 v16, $0x4;
	v31 =	vshrl.u32 v16, $0x6;
	v16 =	vshrl.u32 v16, $0x10  }
0x34: {  	v35 =	vld [tilespmem:s18+$0x440];
	v33 =	vshll.u32 v18, $0x4;
	v34 =	vshrl.u32 v18, $0x6;
	v18 =	vshrl.u32 v18, $0x10  }
0x35: {  	v38 =	vld [tilespmem:s18+$0x450];
	v36 =	vshll.u32 v21, $0x4;
	v37 =	vshrl.u32 v21, $0x6;
	v21 =	vshrl.u32 v21, $0x10  }
0x36: {  	v41 =	vld [tilespmem:s18+$0x460];
	v39 =	vshll.u32 v24, $0x4;
	v40 =	vshrl.u32 v24, $0x6;
	v24 =	vshrl.u32 v24, $0x10  }
0x37: {  	v42 =	vshll.u32 v27, $0x4;
	v43 =	vshrl.u32 v27, $0x6;
	v27 =	vshrl.u32 v27, $0x10  }
0x38: {  	v44 =	vshll.u32 v32, $0x4;
	v45 =	vshrl.u32 v32, $0x6;
	v32 =	vshrl.u32 v32, $0x10  }
0x39: {  	v46 =	vshll.u32 v35, $0x4;
	v47 =	vshrl.u32 v35, $0x6;
	v35 =	vshrl.u32 v35, $0x10  }
0x3a: {  	v48 =	vshll.u32 v38, $0x4;
	v49 =	vshrl.u32 v38, $0x6;
	v38 =	vshrl.u32 v38, $0x10  }
0x3b: {  	v50 =	vshll.u32 v41, $0x4;
	v51 =	vshrl.u32 v41, $0x6;
	v41 =	vshrl.u32 v41, $0x10  }
0x3c: {  	v7 =	vor.u32 v0, v7;
	v9 =	vand.u32 $0x3FF0, v9;
	v4 =	vand.u32 $0x3FF0, v4  }
0x3d: {  	v11 =	vor.u32 v0, v11;
	v13 =	vand.u32 $0x3FF0, v13;
	v5 =	vand.u32 $0x3FF0, v5  }
0x3e: {  	v15 =	vor.u32 v0, v15;
	v17 =	vand.u32 $0x3FF0, v17;
	v6 =	vand.u32 $0x3FF0, v6  }
0x3f: {  	v19 =	vor.u32 v0, v19;
	v20 =	vand.u32 $0x3FF0, v20;
	v8 =	vand.u32 $0x3FF0, v8  }
0x40: {  	v22 =	vor.u32 v0, v22;
	v23 =	vand.u32 $0x3FF0, v23;
	v10 =	vand.u32 $0x3FF0, v10  }
0x41: {  	v25 =	vor.u32 v0, v25;
	v26 =	vand.u32 $0x3FF0, v26;
	v12 =	vand.u32 $0x3FF0, v12  }
0x42: {  	v28 =	vor.u32 v0, v28;
	v29 =	vand.u32 $0x3FF0, v29;
	v14 =	vand.u32 $0x3FF0, v14  }
0x43: {  	v30 =	vor.u32 v0, v30;
	v52 =	vand.u32 $0x3FF0, v31;
	v16 =	vand.u32 $0x3FF0, v16  }
0x44: {  	v33 =	vor.u32 v0, v33;
	v34 =	vand.u32 $0x3FF0, v34;
	v7 =	vand.u32 $0x3FFF, v7  }
0x45: {  	v18 =	vand.u32 $0x3FF0, v18;
	v36 =	vor.u32 v0, v36;
	v11 =	vand.u32 $0x3FFF, v11  }
0x46: {  	v37 =	vand.u32 $0x3FF0, v37;
	v21 =	vand.u32 $0x3FF0, v21;
	v15 =	vand.u32 $0x3FFF, v15  }
0x47: {  	v39 =	vor.u32 v0, v39;
	v42 =	vor.u32 v0, v42;
	v63 =	vand.u32 $0x3FFF, v25  }
0x48: {  	v61 =	vor.u32 v0, v50;
	v9 =	vor.u32 v0, v9;
	v56 =	vand.u32 $0x3FFF, v28  }
0x49: {  	v40 =	vand.u32 $0x3FF0, v40;
	v4 =	vor.u32 v0, v4;
	v13 =	vor.u32 v0, v13;
	[tilespmem:v7+s11+$0x0] =	vst.idx.add.f32.msk $0xffff, v2  }
0x4a: {  	v53 =	vand.u32 $0x3FF0, v24;
	v5 =	vor.u32 v0, v5;
	v17 =	vor.u32 v0, v17;
	[tilespmem:v11+s11+$0x0] =	vst.idx.add.f32.msk $0xffff, v2  }
0x4b: {  	v35 =	vand.u32 $0x3FF0, v35;
	v6 =	vor.u32 v0, v6;
	v8 =	vor.u32 v0, v8;
	[tilespmem:v15+s11+$0x0] =	vst.idx.add.f32.msk $0xffff, v2  }
0x4c: {  	v60 =	vand.u32 $0x3FF0, v49;
	v62 =	vor.u32 v0, v23;
	v54 =	vor.u32 v0, v26;
	[tilespmem:v63+s11+$0x0] =	vst.idx.add.f32.msk $0xffff, v2  }
0x4d: {  	v38 =	vand.u32 $0x3FF0, v38;
	v10 =	vor.u32 v0, v10;
	v55 =	vor.u32 v0, v12;
	[tilespmem:v56+s11+$0x0] =	vst.idx.add.f32.msk $0xffff, v2  }
0x4e: {  	v41 =	vand.u32 $0x3FF0, v41;
	v31 =	vor.u32 v0, v14;
	v28 =	vor.u32 v0, v16;
	[tilespmem:v9+s11+$0x0] =	vst.idx.add.f32.msk $0xffff, v2  }
0x4f: {  	v30 =	vand.u32 $0x3FFF, v30;
	v26 =	vor.u32 v0, v34;
	v25 =	vor.u32 v0, v18;
	[tilespmem:v13+s11+$0x0] =	vst.idx.add.f32.msk $0xffff, v2  }
0x50: {  	v24 =	vand.u32 $0x3FFF, v36;
	v23 =	vor.u32 v0, v37;
	v18 =	vand.u32 $0x3FFF, v42;
	[tilespmem:v17+s11+$0x0] =	vst.idx.add.f32.msk $0xffff, v2  }
0x51: {  	v36 =	vor.u32 v0, v38;
	v1 =	vor.u32 v0, v41;
	v11 =	vand.u32 $0x3FFF, v19;
	[tilespmem:v54+s11+$0x0] =	vst.idx.add.f32.msk $0xffff, v2  }
0x52: {  	v7 =	vand.u32 $0x3FF0, v43;
	v43 =	vand.u32 $0x3FF0, v27;
	v15 =	vand.u32 $0x3FFF, v22;
	[tilespmem:v4+s11+$0x0] =	vst.idx.add.f32.msk $0xffff, v2  }
0x53: {  	v27 =	vand.u32 $0x3FFF, v33;
	v22 =	vor.u32 v0, v21;
	v13 =	vor.u32 v0, v20;
	[tilespmem:v5+s11+$0x0] =	vst.idx.add.f32.msk $0xffff, v2  }
0x54: {  	v19 =	vor.u32 v0, v53;
	v9 =	vor.u32 v0, v44;
	v44 =	vand.u32 $0x3FF0, v45;
	[tilespmem:v6+s11+$0x0] =	vst.idx.add.f32.msk $0xffff, v2  }
0x55: {  	v45 =	vor.u32 v0, v46;
	v46 =	vand.u32 $0x3FF0, v47;
	v47 =	vor.u32 v0, v48;
	[tilespmem:v55+s11+$0x0] =	vst.idx.add.f32.msk $0xffff, v2  }
0x56: {  	v21 =	vand.u32 $0x3FFF, v39;
	v20 =	vor.u32 v0, v40;
	v17 =	vor.u32 v0, v7;
	[tilespmem:v11+s11+$0x0] =	vst.idx.add.f32.msk $0xffff, v2  }
0x57: {  	v16 =	vor.u32 v0, v43;
	v4 =	vand.u32 $0x3FF0, v32;
	v32 =	vor.u32 v0, v29;
	[tilespmem:v15+s11+$0x0] =	vst.idx.add.f32.msk $0xffff, v2  }
0x58: {  	v5 =	vand.u32 $0x3FF0, v51;
	v29 =	vor.u32 v0, v52;
	v14 =	vor.u32 v0, v44;
	[tilespmem:v13+s11+$0x0] =	vst.idx.add.f32.msk $0xffff, v2  }
0x59: {  	v12 =	vand.u32 $0x3FFF, v45;
	v6 =	vand.u32 $0x3FFF, v61;
	v11 =	vor.u32 v0, v46;
	[tilespmem:v62+s11+$0x0] =	vst.idx.add.f32.msk $0xffff, v2  }
0x5a: {  	v15 =	vand.u32 $0x3FFF, v9;
	v13 =	vor.u32 v0, v4;
	v4 =	vor.u32 v0, v5;
	[tilespmem:v8+s11+$0x0] =	vst.idx.add.f32.msk $0xffff, v2  }
0x5b: {  	s18 =	simm.s32 $0x0;
	v9 =	vand.u32 $0x3FFF, v47;
	[tilespmem:v10+s11+$0x0] =	vst.idx.add.f32.msk $0xffff, v2;
	v10 =	vor.u32 v0, v35;
	v8 =	vor.u32 v0, v60  }
.LBB2_4:
0x5c: {  	s18 =	sadd.s32 $0x10, s18;
	[tilespmem:v32+s11+$0x0] =	vst.idx.add.f32.msk $0xffff, v2  }
0x5d: {  	s17 =	sadd.s32 $0x800, s17;
	[tilespmem:v30+s11+$0x0] =	vst.idx.add.f32.msk $0xffff, v2;
	s19 =	sshll.u32 s18, $0x4  }
0x5e: {  	[tilespmem:v31+s11+$0x0] =	vst.idx.add.f32.msk $0xffff, v2;
	s20 =	sand.u32 $0x800, s17;
	s21 =	sshll.u32 s18, $0x2;
	s19 =	sand.u32 $0x7000, s19  }
0x5f: {  	[tilespmem:v29+s11+$0x0] =	vst.idx.add.f32.msk $0xffff, v2;
	s21 =	sand.u32 $0x380, s21;
	s19 =	sor.u32 s20, s19  }
0x60: {  	[tilespmem:v28+s11+$0x0] =	vst.idx.add.f32.msk $0xffff, v2;
	s19 =	sor.u32 s21, s19  }
0x61: {  	v28 =	vld [tilespmem:s19+$0x470]  }
0x62: {  	v29 =	vld [tilespmem:s19+$0x0]  }
0x63: {  	v30 =	vld [tilespmem:s19+$0x10]  }
0x64: {  	v31 =	vld [tilespmem:s19+$0x20]  }
0x65: {  	v58 =	vld [tilespmem:s19+$0x30]  }
0x66: {  	v33 =	vld [tilespmem:s19+$0x40]  }
0x67: {  	v59 =	vld [tilespmem:s19+$0x50]  }
0x68: {  	v38 =	vld [tilespmem:s19+$0x60]  }
0x69: {  	v40 =	vld [tilespmem:s19+$0x70]  }
0x6a: {  	v42 =	vld [tilespmem:s19+$0x400]  }
0x6b: {  	v45 =	vld [tilespmem:s19+$0x410]  }
0x6c: {  	v48 =	vld [tilespmem:s19+$0x420]  }
0x6d: {  	[tilespmem:$0x1FFD0] =	vst v6;
	v54 =	vld [tilespmem:s19+$0x430]  }
0x6e: {  	[tilespmem:$0x1FFE0] =	vst v4;
	v57 =	vld [tilespmem:s19+$0x440]  }
0x6f: {  	[tilespmem:$0x1FFF0] =	vst v1;
	v60 =	vld [tilespmem:s19+$0x450]  }
0x70: {  	[tilespmem:$0x1FFC0] =	vst v36;
	v63 =	vld [tilespmem:s19+$0x460]  }
0x71: {  	[tilespmem:v27+s11+$0x0] =	vst.idx.add.f32.msk $0xffff, v2;
	v34 =	vshll.u32 v28, $0x4;
	v35 =	vshll.u32 v29, $0x4;
	v37 =	vshrl.u32 v28, $0x6  }
0x72: {  	[tilespmem:v24+s11+$0x0] =	vst.idx.add.f32.msk $0xffff, v2;
	v28 =	vshrl.u32 v28, $0x10;
	v39 =	vshrl.u32 v29, $0x6;
	v29 =	vshrl.u32 v29, $0x10  }
0x73: {  	[tilespmem:v21+s11+$0x0] =	vst.idx.add.f32.msk $0xffff, v2;
	v41 =	vshll.u32 v30, $0x4;
	v43 =	vshrl.u32 v30, $0x6;
	v30 =	vshrl.u32 v30, $0x10  }
0x74: {  	[tilespmem:v18+s11+$0x0] =	vst.idx.add.f32.msk $0xffff, v2;
	v44 =	vshll.u32 v31, $0x4;
	v46 =	vshrl.u32 v31, $0x6;
	v31 =	vshrl.u32 v31, $0x10  }
0x75: {  	[tilespmem:v15+s11+$0x0] =	vst.idx.add.f32.msk $0xffff, v2;
	v47 =	vshll.u32 v58, $0x4;
	v49 =	vshrl.u32 v58, $0x6;
	v32 =	vshrl.u32 v58, $0x10  }
0x76: {  	[tilespmem:v12+s11+$0x0] =	vst.idx.add.f32.msk $0xffff, v2;
	v50 =	vshll.u32 v33, $0x4;
	v51 =	vshll.u32 v59, $0x4;
	v36 =	vshrl.u32 v59, $0x10  }
0x77: {  	[tilespmem:v9+s11+$0x0] =	vst.idx.add.f32.msk $0xffff, v2;
	v52 =	vshll.u32 v38, $0x4;
	v53 =	vshll.u32 v40, $0x4;
	v55 =	vshrl.u32 v40, $0x6  }
0x78: {  	[tilespmem:v26+s11+$0x0] =	vst.idx.add.f32.msk $0xffff, v2;
	v40 =	vshrl.u32 v40, $0x10;
	v56 =	vshll.u32 v42, $0x4;
	v58 =	vshrl.u32 v42, $0x6  }
0x79: {  	[tilespmem:v23+s11+$0x0] =	vst.idx.add.f32.msk $0xffff, v2;
	v42 =	vshrl.u32 v42, $0x10;
	v61 =	vshrl.u32 v45, $0x6;
	v62 =	vshll.u32 v48, $0x4  }
0x7a: {  	[tilespmem:v20+s11+$0x0] =	vst.idx.add.f32.msk $0xffff, v2;
	v1 =	vshrl.u32 v48, $0x6;
	v48 =	vshrl.u32 v48, $0x10;
	v27 =	vshll.u32 v54, $0x4  }
0x7b: {  	[tilespmem:v17+s11+$0x0] =	vst.idx.add.f32.msk $0xffff, v2;
	v4 =	vshrl.u32 v54, $0x6;
	v54 =	vshrl.u32 v54, $0x10;
	v26 =	vshll.u32 v57, $0x4  }
0x7c: {  	[tilespmem:v25+s11+$0x0] =	vst.idx.add.f32.msk $0xffff, v2;
	v5 =	vshrl.u32 v57, $0x6;
	v57 =	vshrl.u32 v57, $0x10;
	v25 =	vshll.u32 v60, $0x4  }
0x7d: {  	[tilespmem:v14+s11+$0x0] =	vst.idx.add.f32.msk $0xffff, v2;
	v6 =	vshrl.u32 v60, $0x6;
	v60 =	vshrl.u32 v60, $0x10;
	v24 =	vshll.u32 v63, $0x4  }
0x7e: {  	[tilespmem:v11+s11+$0x0] =	vst.idx.add.f32.msk $0xffff, v2;
	v7 =	vshrl.u32 v63, $0x6;
	v63 =	vshrl.u32 v63, $0x10;
	v34 =	vor.u32 v0, v34  }
0x7f: {  	[tilespmem:v8+s11+$0x0] =	vst.idx.add.f32.msk $0xffff, v2;
	v37 =	vand.u32 $0x3FF0, v37;
	v28 =	vand.u32 $0x3FF0, v28;
	v35 =	vor.u32 v0, v35  }
0x80: {  	[tilespmem:v22+s11+$0x0] =	vst.idx.add.f32.msk $0xffff, v2;
	v23 =	vand.u32 $0x3FF0, v39;
	v29 =	vand.u32 $0x3FF0, v29;
	v39 =	vor.u32 v0, v41  }
0x81: {  	[tilespmem:v19+s11+$0x0] =	vst.idx.add.f32.msk $0xffff, v2;
	v22 =	vand.u32 $0x3FF0, v43;
	v30 =	vand.u32 $0x3FF0, v30;
	v41 =	vor.u32 v0, v44  }
0x82: {  	[tilespmem:v16+s11+$0x0] =	vst.idx.add.f32.msk $0xffff, v2;
	v21 =	vand.u32 $0x3FF0, v46;
	v31 =	vand.u32 $0x3FF0, v31;
	v43 =	vor.u32 v0, v47  }
0x83: {  	[tilespmem:v13+s11+$0x0] =	vst.idx.add.f32.msk $0xffff, v2;
	v20 =	vand.u32 $0x3FF0, v49;
	v32 =	vand.u32 $0x3FF0, v32;
	v34 =	vand.u32 $0x3FFF, v34  }
0x84: {  	[tilespmem:v10+s11+$0x0] =	vst.idx.add.f32.msk $0xffff, v2;
	v44 =	vor.u32 v0, v50;
	v36 =	vand.u32 $0x3FF0, v36;
	v9 =	vand.u32 $0x3FFF, v35  }
0x85: {  	v16 =	vand.u32 $0x3FF0, v55;
	v8 =	vor.u32 v0, v23;
	v11 =	vand.u32 $0x3FFF, v39;
	v23 =	vld [tilespmem:$0x1FFC0]  }
0x86: {  	v40 =	vand.u32 $0x3FF0, v40;
	v41 =	vand.u32 $0x3FFF, v41;
	v55 =	vor.u32 v0, v21;
	v21 =	vld [tilespmem:$0x1FFE0]  }
0x87: {  	v14 =	vand.u32 $0x3FF0, v61;
	v43 =	vand.u32 $0x3FFF, v43;
	v61 =	vor.u32 v0, v20;
	v20 =	vld [tilespmem:$0x1FFF0]  }
0x88: {  	v46 =	vor.u32 v0, v56;
	v15 =	vand.u32 $0x3FF0, v58;
	v44 =	vand.u32 $0x3FFF, v44;
	[tilespmem:v34+s11+$0x0] =	vst.idx.add.f32.msk $0xffff, v2  }
0x89: {  	v42 =	vand.u32 $0x3FF0, v42;
	v49 =	vor.u32 v0, v62;
	v37 =	vor.u32 v0, v37;
	[tilespmem:v9+s11+$0x0] =	vst.idx.add.f32.msk $0xffff, v2  }
0x8a: {  	v1 =	vand.u32 $0x3FF0, v1;
	v13 =	vand.u32 $0x3FF0, v48;
	v48 =	vor.u32 v0, v27;
	[tilespmem:v11+s11+$0x0] =	vst.idx.add.f32.msk $0xffff, v2  }
0x8b: {  	v4 =	vand.u32 $0x3FF0, v4;
	v12 =	vand.u32 $0x3FF0, v54;
	v22 =	vor.u32 v0, v22;
	[tilespmem:v41+s11+$0x0] =	vst.idx.add.f32.msk $0xffff, v2  }
0x8c: {  	v50 =	vor.u32 v0, v26;
	v5 =	vand.u32 $0x3FF0, v5;
	v6 =	vand.u32 $0x3FF0, v6;
	[tilespmem:v43+s11+$0x0] =	vst.idx.add.f32.msk $0xffff, v2  }
0x8d: {  	v54 =	vor.u32 v0, v24;
	v7 =	vand.u32 $0x3FF0, v7;
	v28 =	vor.u32 v0, v28;
	[tilespmem:v44+s11+$0x0] =	vst.idx.add.f32.msk $0xffff, v2  }
0x8e: {  	v35 =	vand.u32 $0x3FF0, v63;
	v10 =	vor.u32 v0, v29;
	v39 =	vor.u32 v0, v30;
	[tilespmem:v37+s11+$0x0] =	vst.idx.add.f32.msk $0xffff, v2  }
0x8f: {  	v62 =	vor.u32 v0, v32;
	v26 =	vor.u32 v0, v16;
	v24 =	vand.u32 $0x3FFF, v46;
	[tilespmem:v8+s11+$0x0] =	vst.idx.add.f32.msk $0xffff, v2  }
0x90: {  	v16 =	vor.u32 v0, v13;
	v13 =	vor.u32 v0, v12;
	v12 =	vand.u32 $0x3FFF, v50;
	[tilespmem:v22+s11+$0x0] =	vst.idx.add.f32.msk $0xffff, v2  }
0x91: {  	v34 =	vshrl.u32 v33, $0x6;
	v33 =	vshrl.u32 v33, $0x10;
	v11 =	vor.u32 v0, v5;
	[tilespmem:v55+s11+$0x0] =	vst.idx.add.f32.msk $0xffff, v2  }
0x92: {  	v37 =	vshrl.u32 v59, $0x6;
	v59 =	vshll.u32 v45, $0x4;
	v45 =	vshrl.u32 v45, $0x10;
	[tilespmem:v61+s11+$0x0] =	vst.idx.add.f32.msk $0xffff, v2  }
0x93: {  	v19 =	vand.u32 $0x3FF0, v34;
	v33 =	vand.u32 $0x3FF0, v33;
	v34 =	vor.u32 v0, v51;
	[tilespmem:v28+s11+$0x0] =	vst.idx.add.f32.msk $0xffff, v2  }
0x94: {  	v28 =	vshrl.u32 v38, $0x6;
	v38 =	vshrl.u32 v38, $0x10;
	v63 =	vor.u32 v0, v19;
	[tilespmem:v23+s11+$0x0] =	vst.idx.add.f32.msk $0xffff, v2  }
0x95: {  	v34 =	vand.u32 $0x3FFF, v34;
	v17 =	vand.u32 $0x3FF0, v28;
	v28 =	vand.u32 $0x3FF0, v38;
	v23 =	vld [tilespmem:$0x1FFD0]  }
0x96: {  	[tilespmem:v10+s11+$0x0] =	vst.idx.add.f32.msk $0xffff, v2;
	v38 =	vor.u32 v0, v53;
	v53 =	vand.u32 $0x3FF0, v60;
	v60 =	vor.u32 v0, v31  }
0x97: {  	v51 =	vand.u32 $0x3FF0, v57;
	v22 =	vor.u32 v0, v42;
	v33 =	vor.u32 v0, v33;
	[tilespmem:v39+s11+$0x0] =	vst.idx.add.f32.msk $0xffff, v2  }
0x98: {  	v8 =	vor.u32 v0, v6;
	v18 =	vand.u32 $0x3FF0, v37;
	v37 =	vor.u32 v0, v52;
	[tilespmem:v62+s11+$0x0] =	vst.idx.add.f32.msk $0xffff, v2  }
0x99: {  	v6 =	vand.u32 $0x3FFF, v54;
	v47 =	vor.u32 v0, v59;
	v52 =	vor.u32 v0, v25;
	[tilespmem:v63+s11+$0x0] =	vst.idx.add.f32.msk $0xffff, v2  }
0x9a: {  	v45 =	vand.u32 $0x3FF0, v45;
	v25 =	vor.u32 v0, v40;
	v10 =	vor.u32 v0, v51;
	[tilespmem:v34+s11+$0x0] =	vst.idx.add.f32.msk $0xffff, v2  }
0x9b: {  	p0 =	slt.u32 s18, $0x5F0;
	v32 =	vor.u32 v0, v18;
	v31 =	vor.u32 v0, v36;
	v30 =	vand.u32 $0x3FFF, v37;
	[tilespmem:v60+s11+$0x0] =	vst.idx.add.f32.msk $0xffff, v2  }
.Ltmp1:
0x9c: {  	v19 =	vor.u32 v0, v45;
	v18 =	vand.u32 $0x3FFF, v49;
	v29 =	vor.u32 v0, v17;
	[tilespmem:v33+s11+$0x0] =	vst.idx.add.f32.msk $0xffff, v2;
	(pc) =	sbr.rel @p0 .LBB2_4-.Ltmp1, $4  }
0x9d: {  	v9 =	vand.u32 $0x3FFF, v52;
	v28 =	vor.u32 v0, v28;
	v17 =	vor.u32 v0, v1;
	[tilespmem:v23+s11+$0x0] =	vst.idx.add.f32.msk $0xffff, v2  }
0x9e: {  	v27 =	vand.u32 $0x3FFF, v38;
	v36 =	vor.u32 v0, v53;
	v1 =	vor.u32 v0, v35;
	[tilespmem:v21+s11+$0x0] =	vst.idx.add.f32.msk $0xffff, v2  }
0x9f: {  	v23 =	vor.u32 v0, v15;
	v15 =	vand.u32 $0x3FFF, v48;
	v21 =	vand.u32 $0x3FFF, v47;
	[tilespmem:v20+s11+$0x0] =	vst.idx.add.f32.msk $0xffff, v2  }
0xa0: {  	v20 =	vor.u32 v0, v14;
	v14 =	vor.u32 v0, v4;
	v4 =	vor.u32 v0, v7  }
0xa1: {  	_ =	sdelay $0x3  }
0xa2: {  	[tilespmem:v32+s11+$0x0] =	vst.idx.add.f32.msk $0xffff, v2  }
0xa3: {  	[tilespmem:v30+s11+$0x0] =	vst.idx.add.f32.msk $0xffff, v2  }
0xa4: {  	[tilespmem:v27+s11+$0x0] =	vst.idx.add.f32.msk $0xffff, v2  }
0xa5: {  	[tilespmem:v24+s11+$0x0] =	vst.idx.add.f32.msk $0xffff, v2  }
0xa6: {  	[tilespmem:v21+s11+$0x0] =	vst.idx.add.f32.msk $0xffff, v2  }
0xa7: {  	[tilespmem:v18+s11+$0x0] =	vst.idx.add.f32.msk $0xffff, v2  }
0xa8: {  	[tilespmem:v15+s11+$0x0] =	vst.idx.add.f32.msk $0xffff, v2  }
0xa9: {  	[tilespmem:v12+s11+$0x0] =	vst.idx.add.f32.msk $0xffff, v2  }
0xaa: {  	[tilespmem:v9+s11+$0x0] =	vst.idx.add.f32.msk $0xffff, v2  }
0xab: {  	[tilespmem:v6+s11+$0x0] =	vst.idx.add.f32.msk $0xffff, v2  }
0xac: {  	[tilespmem:v31+s11+$0x0] =	vst.idx.add.f32.msk $0xffff, v2  }
0xad: {  	[tilespmem:v29+s11+$0x0] =	vst.idx.add.f32.msk $0xffff, v2  }
0xae: {  	[tilespmem:v26+s11+$0x0] =	vst.idx.add.f32.msk $0xffff, v2  }
0xaf: {  	[tilespmem:v23+s11+$0x0] =	vst.idx.add.f32.msk $0xffff, v2  }
0xb0: {  	[tilespmem:v20+s11+$0x0] =	vst.idx.add.f32.msk $0xffff, v2  }
0xb1: {  	[tilespmem:v17+s11+$0x0] =	vst.idx.add.f32.msk $0xffff, v2  }
0xb2: {  	[tilespmem:v14+s11+$0x0] =	vst.idx.add.f32.msk $0xffff, v2  }
0xb3: {  	[tilespmem:v11+s11+$0x0] =	vst.idx.add.f32.msk $0xffff, v2  }
0xb4: {  	[tilespmem:v8+s11+$0x0] =	vst.idx.add.f32.msk $0xffff, v2  }
0xb5: {  	[tilespmem:v4+s11+$0x0] =	vst.idx.add.f32.msk $0xffff, v2  }
0xb6: {  	[tilespmem:v28+s11+$0x0] =	vst.idx.add.f32.msk $0xffff, v2  }
0xb7: {  	[tilespmem:v25+s11+$0x0] =	vst.idx.add.f32.msk $0xffff, v2  }
0xb8: {  	[tilespmem:v22+s11+$0x0] =	vst.idx.add.f32.msk $0xffff, v2  }
0xb9: {  	[tilespmem:v19+s11+$0x0] =	vst.idx.add.f32.msk $0xffff, v2  }
0xba: {  	[tilespmem:v16+s11+$0x0] =	vst.idx.add.f32.msk $0xffff, v2  }
0xbb: {  	[tilespmem:v13+s11+$0x0] =	vst.idx.add.f32.msk $0xffff, v2  }
0xbc: {  	[tilespmem:v10+s11+$0x0] =	vst.idx.add.f32.msk $0xffff, v2  }
0xbd: {  	[tilespmem:v36+s11+$0x0] =	vst.idx.add.f32.msk $0xffff, v2  }
0xbe: {  	s17 =	simm.s32 $0x0;
	s18 =	simm.s32 $0x0;
	s20 =	simm.s32 $0x0;
	[tilespmem:v1+s11+$0x0] =	vst.idx.add.f32.msk $0xffff, v2  }
0xbf: {  	[tilespmem:s17], [sflag:$0x1] =	stream.linear.gather [hbm4b:s5+s17], $0x6000, $0x38;
	[tilespmem:$0x10700] =	vst v63  }
0xc0: {  	s18 =	sand.u32 $0x7000, s18;
	s19 =	sand.u32 $0x800, s17;
	_ =	swait.ge [sflag:s12], $0x5000  }
0xc1: {  	s20 =	sand.u32 $0x380, s20;
	s18 =	sor.u32 s19, s18;
	[sflag:s12] =	ssyncset.done $0x0  }
0xc2: {  	s18 =	sor.u32 s20, s18;
	[sflag:s12] =	ssyncadd.s32 $0xFFFFB000  }
0xc3: {  	v1 =	vld [tilespmem:s18+$0x6470]  }
0xc4: {  	v4 =	vld [tilespmem:s18+$0x6000];
	_ =	sdelay $0x1  }
0xc5: {  	v5 =	vld [tilespmem:s18+$0x6010]  }
0xc6: {  	v7 =	vld [tilespmem:s18+$0x6020]  }
0xc7: {  	v9 =	vld [tilespmem:s18+$0x6030]  }
0xc8: {  	v11 =	vld [tilespmem:s18+$0x6040];
	v6 =	vshll.u32 v1, $0x4;
	v8 =	vshrl.u32 v1, $0x6;
	v10 =	vshll.u32 v4, $0x4  }
0xc9: {  	v13 =	vld [tilespmem:s18+$0x6050];
	v1 =	vshrl.u32 v1, $0x10;
	v12 =	vshrl.u32 v4, $0x6;
	v4 =	vshrl.u32 v4, $0x10  }
0xca: {  	v15 =	vld [tilespmem:s18+$0x6060];
	v14 =	vshll.u32 v5, $0x4;
	v16 =	vshrl.u32 v5, $0x6;
	v5 =	vshrl.u32 v5, $0x10  }
0xcb: {  	v17 =	vld [tilespmem:s18+$0x6070];
	v18 =	vshll.u32 v7, $0x4;
	v19 =	vshrl.u32 v7, $0x6;
	v7 =	vshrl.u32 v7, $0x10  }
0xcc: {  	v20 =	vld [tilespmem:s18+$0x6400];
	v21 =	vshll.u32 v9, $0x4;
	v22 =	vshrl.u32 v9, $0x6;
	v9 =	vshrl.u32 v9, $0x10  }
0xcd: {  	v23 =	vld [tilespmem:s18+$0x6410];
	v24 =	vshll.u32 v11, $0x4;
	v25 =	vshrl.u32 v11, $0x6;
	v11 =	vshrl.u32 v11, $0x10  }
0xce: {  	v26 =	vld [tilespmem:s18+$0x6420];
	v27 =	vshll.u32 v13, $0x4;
	v28 =	vshrl.u32 v13, $0x6;
	v13 =	vshrl.u32 v13, $0x10  }
0xcf: {  	v31 =	vld [tilespmem:s18+$0x6430];
	v29 =	vshll.u32 v15, $0x4;
	v30 =	vshrl.u32 v15, $0x6;
	v15 =	vshrl.u32 v15, $0x10  }
0xd0: {  	v34 =	vld [tilespmem:s18+$0x6440];
	v55 =	vshll.u32 v17, $0x4;
	v33 =	vshrl.u32 v17, $0x6;
	v17 =	vshrl.u32 v17, $0x10  }
0xd1: {  	v37 =	vld [tilespmem:s18+$0x6450];
	v35 =	vshll.u32 v20, $0x4;
	v56 =	vshrl.u32 v20, $0x6;
	v20 =	vshrl.u32 v20, $0x10  }
0xd2: {  	v40 =	vld [tilespmem:s18+$0x6460];
	v38 =	vshll.u32 v23, $0x4;
	v39 =	vshrl.u32 v23, $0x6;
	v23 =	vshrl.u32 v23, $0x10  }
0xd3: {  	v41 =	vshll.u32 v26, $0x4;
	v42 =	vshrl.u32 v26, $0x6;
	v26 =	vshrl.u32 v26, $0x10  }
0xd4: {  	v43 =	vshll.u32 v31, $0x4;
	v44 =	vshrl.u32 v31, $0x6;
	v31 =	vshrl.u32 v31, $0x10  }
0xd5: {  	v45 =	vshll.u32 v34, $0x4;
	v46 =	vshrl.u32 v34, $0x6;
	v34 =	vshrl.u32 v34, $0x10  }
0xd6: {  	v47 =	vshll.u32 v37, $0x4;
	v48 =	vshrl.u32 v37, $0x6;
	v37 =	vshrl.u32 v37, $0x10  }
0xd7: {  	v49 =	vshll.u32 v40, $0x4;
	v50 =	vshrl.u32 v40, $0x6;
	v40 =	vshrl.u32 v40, $0x10  }
0xd8: {  	v6 =	vor.u32 v0, v6;
	v8 =	vand.u32 $0x3FF0, v8;
	v1 =	vand.u32 $0x3FF0, v1  }
0xd9: {  	v10 =	vor.u32 v0, v10;
	v12 =	vand.u32 $0x3FF0, v12;
	v4 =	vand.u32 $0x3FF0, v4  }
0xda: {  	v14 =	vor.u32 v0, v14;
	v16 =	vand.u32 $0x3FF0, v16;
	v5 =	vand.u32 $0x3FF0, v5  }
0xdb: {  	v18 =	vor.u32 v0, v18;
	v19 =	vand.u32 $0x3FF0, v19;
	v7 =	vand.u32 $0x3FF0, v7  }
0xdc: {  	v21 =	vor.u32 v0, v21;
	v22 =	vand.u32 $0x3FF0, v22;
	v9 =	vand.u32 $0x3FF0, v9  }
0xdd: {  	v24 =	vor.u32 v0, v24;
	v25 =	vand.u32 $0x3FF0, v25;
	v11 =	vand.u32 $0x3FF0, v11  }
0xde: {  	v27 =	vor.u32 v0, v27;
	v28 =	vand.u32 $0x3FF0, v28;
	v13 =	vand.u32 $0x3FF0, v13  }
0xdf: {  	v29 =	vor.u32 v0, v29;
	v51 =	vand.u32 $0x3FF0, v30;
	v15 =	vand.u32 $0x3FF0, v15  }
0xe0: {  	v52 =	vor.u32 v0, v55;
	v33 =	vand.u32 $0x3FF0, v33;
	v6 =	vand.u32 $0x3FFF, v6  }
0xe1: {  	v17 =	vand.u32 $0x3FF0, v17;
	v35 =	vor.u32 v0, v35;
	v10 =	vand.u32 $0x3FFF, v10  }
0xe2: {  	v36 =	vand.u32 $0x3FF0, v56;
	v38 =	vor.u32 v0, v38;
	v14 =	vand.u32 $0x3FFF, v14  }
0xe3: {  	v41 =	vor.u32 v0, v41;
	v57 =	vor.u32 v0, v45;
	v62 =	vand.u32 $0x3FFF, v24  }
0xe4: {  	v59 =	vor.u32 v0, v47;
	v61 =	vor.u32 v0, v49;
	v55 =	vand.u32 $0x3FFF, v27  }
0xe5: {  	v20 =	vand.u32 $0x3FF0, v20;
	v8 =	vor.u32 v0, v8;
	v1 =	vor.u32 v0, v1;
	[tilespmem:v6+s11+$0x0] =	vst.idx.add.f32.msk $0xffff, v2  }
0xe6: {  	v39 =	vand.u32 $0x3FF0, v39;
	v12 =	vor.u32 v0, v12;
	v4 =	vor.u32 v0, v4;
	[tilespmem:v10+s11+$0x0] =	vst.idx.add.f32.msk $0xffff, v2  }
0xe7: {  	v53 =	vand.u32 $0x3FF0, v23;
	v16 =	vor.u32 v0, v16;
	v5 =	vor.u32 v0, v5;
	[tilespmem:v14+s11+$0x0] =	vst.idx.add.f32.msk $0xffff, v2  }
0xe8: {  	v58 =	vand.u32 $0x3FF0, v46;
	v7 =	vor.u32 v0, v7;
	v63 =	vor.u32 v0, v25;
	[tilespmem:v62+s11+$0x0] =	vst.idx.add.f32.msk $0xffff, v2  }
0xe9: {  	v34 =	vand.u32 $0x3FF0, v34;
	v9 =	vor.u32 v0, v9;
	v54 =	vor.u32 v0, v11;
	[tilespmem:v55+s11+$0x0] =	vst.idx.add.f32.msk $0xffff, v2  }
0xea: {  	v32 =	vor.u32 v0, v28;
	v30 =	vand.u32 $0x3FFF, v29;
	v29 =	vor.u32 v0, v51;
	[tilespmem:v8+s11+$0x0] =	vst.idx.add.f32.msk $0xffff, v2  }
0xeb: {  	v60 =	vand.u32 $0x3FF0, v48;
	v28 =	vor.u32 v0, v15;
	v25 =	vor.u32 v0, v17;
	[tilespmem:v12+s11+$0x0] =	vst.idx.add.f32.msk $0xffff, v2  }
0xec: {  	v37 =	vand.u32 $0x3FF0, v37;
	v23 =	vor.u32 v0, v36;
	v11 =	vor.u32 v0, v58;
	[tilespmem:v16+s11+$0x0] =	vst.idx.add.f32.msk $0xffff, v2  }
0xed: {  	v6 =	vand.u32 $0x3FF0, v42;
	v42 =	vand.u32 $0x3FF0, v26;
	v10 =	vand.u32 $0x3FFF, v18;
	[tilespmem:v63+s11+$0x0] =	vst.idx.add.f32.msk $0xffff, v2  }
0xee: {  	v14 =	vand.u32 $0x3FFF, v21;
	v18 =	vor.u32 v0, v22;
	v26 =	vor.u32 v0, v33;
	[tilespmem:v1+s11+$0x0] =	vst.idx.add.f32.msk $0xffff, v2  }
0xef: {  	v40 =	vand.u32 $0x3FF0, v40;
	v22 =	vor.u32 v0, v20;
	v12 =	vor.u32 v0, v19;
	[tilespmem:v4+s11+$0x0] =	vst.idx.add.f32.msk $0xffff, v2  }
0xf0: {  	v27 =	vand.u32 $0x3FFF, v52;
	v20 =	vor.u32 v0, v39;
	v8 =	vor.u32 v0, v43;
	[tilespmem:v5+s11+$0x0] =	vst.idx.add.f32.msk $0xffff, v2  }
0xf1: {  	v24 =	vand.u32 $0x3FFF, v35;
	v19 =	vor.u32 v0, v53;
	v17 =	vor.u32 v0, v6;
	[tilespmem:v54+s11+$0x0] =	vst.idx.add.f32.msk $0xffff, v2  }
0xf2: {  	v21 =	vand.u32 $0x3FFF, v38;
	v16 =	vor.u32 v0, v42;
	v6 =	vor.u32 v0, v37;
	[tilespmem:v10+s11+$0x0] =	vst.idx.add.f32.msk $0xffff, v2  }
0xf3: {  	v1 =	vand.u32 $0x3FF0, v31;
	v4 =	vand.u32 $0x3FF0, v50;
	v31 =	vor.u32 v0, v13;
	[tilespmem:v14+s11+$0x0] =	vst.idx.add.f32.msk $0xffff, v2  }
0xf4: {  	v15 =	vand.u32 $0x3FFF, v8;
	v8 =	vor.u32 v0, v60;
	v13 =	vor.u32 v0, v1;
	[tilespmem:v12+s11+$0x0] =	vst.idx.add.f32.msk $0xffff, v2  }
0xf5: {  	v43 =	vand.u32 $0x3FF0, v44;
	v4 =	vor.u32 v0, v4;
	v1 =	vor.u32 v0, v40;
	[tilespmem:v18+s11+$0x0] =	vst.idx.add.f32.msk $0xffff, v2  }
0xf6: {  	v5 =	vand.u32 $0x3FFF, v61;
	v14 =	vor.u32 v0, v43;
	v10 =	vor.u32 v0, v34;
	[tilespmem:v7+s11+$0x0] =	vst.idx.add.f32.msk $0xffff, v2  }
0xf7: {  	s18 =	simm.s32 $0x0;
	v18 =	vand.u32 $0x3FFF, v41;
	v12 =	vand.u32 $0x3FFF, v57;
	[tilespmem:v9+s11+$0x0] =	vst.idx.add.f32.msk $0xffff, v2;
	v9 =	vand.u32 $0x3FFF, v59  }
.LBB2_6:
0xf8: {  	s18 =	sadd.s32 $0x10, s18;
	[tilespmem:v32+s11+$0x0] =	vst.idx.add.f32.msk $0xffff, v2  }
0xf9: {  	s17 =	sadd.s32 $0x800, s17;
	[tilespmem:v30+s11+$0x0] =	vst.idx.add.f32.msk $0xffff, v2;
	s19 =	sshll.u32 s18, $0x4  }
0xfa: {  	[tilespmem:v31+s11+$0x0] =	vst.idx.add.f32.msk $0xffff, v2;
	s20 =	sand.u32 $0x800, s17;
	s21 =	sshll.u32 s18, $0x2;
	s19 =	sand.u32 $0x7000, s19  }
0xfb: {  	[tilespmem:v29+s11+$0x0] =	vst.idx.add.f32.msk $0xffff, v2;
	s21 =	sand.u32 $0x380, s21;
	s19 =	sor.u32 s20, s19  }
0xfc: {  	[tilespmem:v28+s11+$0x0] =	vst.idx.add.f32.msk $0xffff, v2;
	s19 =	sor.u32 s21, s19  }
0xfd: {  	[tilespmem:$0x1FFB0] =	vst v1;
	v1 =	vld [tilespmem:s19+$0x6470]  }
0xfe: {  	v28 =	vld [tilespmem:s19+$0x6000]  }
0xff: {  	v29 =	vld [tilespmem:s19+$0x6010]  }
0x100: {  	v30 =	vld [tilespmem:s19+$0x6020]  }
0x101: {  	v31 =	vld [tilespmem:s19+$0x6030]  }
0x102: {  	v63 =	vld [tilespmem:s19+$0x6040]  }
0x103: {  	v35 =	vld [tilespmem:s19+$0x6050]  }
0x104: {  	v37 =	vld [tilespmem:s19+$0x6060]  }
0x105: {  	v39 =	vld [tilespmem:s19+$0x6070]  }
0x106: {  	v41 =	vld [tilespmem:s19+$0x6400]  }
0x107: {  	v44 =	vld [tilespmem:s19+$0x6410]  }
0x108: {  	v47 =	vld [tilespmem:s19+$0x6420]  }
0x109: {  	v53 =	vld [tilespmem:s19+$0x6430]  }
0x10a: {  	[tilespmem:$0x1FF80] =	vst v6;
	v56 =	vld [tilespmem:s19+$0x6440]  }
0x10b: {  	[tilespmem:$0x1FF90] =	vst v5;
	v59 =	vld [tilespmem:s19+$0x6450]  }
0x10c: {  	[tilespmem:$0x1FFA0] =	vst v4;
	v62 =	vld [tilespmem:s19+$0x6460]  }
0x10d: {  	[tilespmem:v27+s11+$0x0] =	vst.idx.add.f32.msk $0xffff, v2;
	v33 =	vshll.u32 v1, $0x4;
	v34 =	vshll.u32 v28, $0x4;
	v36 =	vshrl.u32 v1, $0x6  }
0x10e: {  	[tilespmem:v24+s11+$0x0] =	vst.idx.add.f32.msk $0xffff, v2;
	v1 =	vshrl.u32 v1, $0x10;
	v38 =	vshrl.u32 v28, $0x6;
	v28 =	vshrl.u32 v28, $0x10  }
0x10f: {  	[tilespmem:v21+s11+$0x0] =	vst.idx.add.f32.msk $0xffff, v2;
	v40 =	vshll.u32 v29, $0x4;
	v42 =	vshrl.u32 v29, $0x6;
	v29 =	vshrl.u32 v29, $0x10  }
0x110: {  	[tilespmem:v18+s11+$0x0] =	vst.idx.add.f32.msk $0xffff, v2;
	v43 =	vshll.u32 v30, $0x4;
	v45 =	vshrl.u32 v30, $0x6;
	v30 =	vshrl.u32 v30, $0x10  }
0x111: {  	[tilespmem:v15+s11+$0x0] =	vst.idx.add.f32.msk $0xffff, v2;
	v46 =	vshll.u32 v31, $0x4;
	v48 =	vshrl.u32 v31, $0x6;
	v31 =	vshrl.u32 v31, $0x10  }
0x112: {  	[tilespmem:v12+s11+$0x0] =	vst.idx.add.f32.msk $0xffff, v2;
	v49 =	vshll.u32 v63, $0x4;
	v32 =	vshrl.u32 v63, $0x10;
	v50 =	vshll.u32 v35, $0x4  }
0x113: {  	[tilespmem:v9+s11+$0x0] =	vst.idx.add.f32.msk $0xffff, v2;
	v51 =	vshll.u32 v37, $0x4;
	v52 =	vshll.u32 v39, $0x4;
	v54 =	vshrl.u32 v39, $0x6  }
0x114: {  	[tilespmem:v26+s11+$0x0] =	vst.idx.add.f32.msk $0xffff, v2;
	v39 =	vshrl.u32 v39, $0x10;
	v55 =	vshll.u32 v41, $0x4;
	v57 =	vshrl.u32 v41, $0x6  }
0x115: {  	[tilespmem:v23+s11+$0x0] =	vst.idx.add.f32.msk $0xffff, v2;
	v41 =	vshrl.u32 v41, $0x10;
	v58 =	vshll.u32 v44, $0x4;
	v60 =	vshrl.u32 v44, $0x6  }
0x116: {  	[tilespmem:v20+s11+$0x0] =	vst.idx.add.f32.msk $0xffff, v2;
	v44 =	vshrl.u32 v44, $0x10;
	v61 =	vshll.u32 v47, $0x4;
	v27 =	vshll.u32 v53, $0x4  }
0x117: {  	[tilespmem:v17+s11+$0x0] =	vst.idx.add.f32.msk $0xffff, v2;
	v4 =	vshrl.u32 v53, $0x6;
	v53 =	vshrl.u32 v53, $0x10;
	v26 =	vshll.u32 v56, $0x4  }
0x118: {  	[tilespmem:v25+s11+$0x0] =	vst.idx.add.f32.msk $0xffff, v2;
	v5 =	vshrl.u32 v56, $0x6;
	v56 =	vshrl.u32 v56, $0x10;
	v25 =	vshll.u32 v59, $0x4  }
0x119: {  	[tilespmem:v14+s11+$0x0] =	vst.idx.add.f32.msk $0xffff, v2;
	v6 =	vshrl.u32 v59, $0x6;
	v59 =	vshrl.u32 v59, $0x10;
	v24 =	vshll.u32 v62, $0x4  }
0x11a: {  	[tilespmem:v11+s11+$0x0] =	vst.idx.add.f32.msk $0xffff, v2;
	v7 =	vshrl.u32 v62, $0x6;
	v62 =	vshrl.u32 v62, $0x10;
	v33 =	vor.u32 v0, v33  }
0x11b: {  	[tilespmem:v8+s11+$0x0] =	vst.idx.add.f32.msk $0xffff, v2;
	v36 =	vand.u32 $0x3FF0, v36;
	v1 =	vand.u32 $0x3FF0, v1;
	v34 =	vor.u32 v0, v34  }
0x11c: {  	[tilespmem:v22+s11+$0x0] =	vst.idx.add.f32.msk $0xffff, v2;
	v23 =	vand.u32 $0x3FF0, v38;
	v28 =	vand.u32 $0x3FF0, v28;
	v38 =	vor.u32 v0, v40  }
0x11d: {  	[tilespmem:v19+s11+$0x0] =	vst.idx.add.f32.msk $0xffff, v2;
	v22 =	vand.u32 $0x3FF0, v42;
	v29 =	vand.u32 $0x3FF0, v29;
	v40 =	vor.u32 v0, v43  }
0x11e: {  	[tilespmem:v16+s11+$0x0] =	vst.idx.add.f32.msk $0xffff, v2;
	v21 =	vand.u32 $0x3FF0, v45;
	v30 =	vand.u32 $0x3FF0, v30;
	v42 =	vor.u32 v0, v46  }
0x11f: {  	[tilespmem:v13+s11+$0x0] =	vst.idx.add.f32.msk $0xffff, v2;
	v20 =	vand.u32 $0x3FF0, v48;
	v31 =	vand.u32 $0x3FF0, v31;
	v33 =	vand.u32 $0x3FFF, v33  }
0x120: {  	[tilespmem:v10+s11+$0x0] =	vst.idx.add.f32.msk $0xffff, v2;
	v43 =	vor.u32 v0, v49;
	v32 =	vand.u32 $0x3FF0, v32;
	v9 =	vand.u32 $0x3FFF, v34  }
0x121: {  	v16 =	vand.u32 $0x3FF0, v54;
	v8 =	vor.u32 v0, v23;
	v11 =	vand.u32 $0x3FFF, v38;
	v23 =	vld [tilespmem:$0x1FF80]  }
0x122: {  	v45 =	vor.u32 v0, v55;
	v40 =	vand.u32 $0x3FFF, v40;
	v55 =	vor.u32 v0, v21;
	v21 =	vld [tilespmem:$0x1FFA0]  }
0x123: {  	v15 =	vand.u32 $0x3FF0, v57;
	v42 =	vand.u32 $0x3FFF, v42;
	v57 =	vor.u32 v0, v20;
	v20 =	vld [tilespmem:$0x1FFB0]  }
0x124: {  	v39 =	vand.u32 $0x3FF0, v39;
	v41 =	vand.u32 $0x3FF0, v41;
	v43 =	vand.u32 $0x3FFF, v43;
	[tilespmem:v33+s11+$0x0] =	vst.idx.add.f32.msk $0xffff, v2  }
0x125: {  	v46 =	vor.u32 v0, v58;
	v14 =	vand.u32 $0x3FF0, v60;
	v36 =	vor.u32 v0, v36;
	[tilespmem:v9+s11+$0x0] =	vst.idx.add.f32.msk $0xffff, v2  }
0x126: {  	v44 =	vand.u32 $0x3FF0, v44;
	v48 =	vor.u32 v0, v61;
	v49 =	vor.u32 v0, v27;
	[tilespmem:v11+s11+$0x0] =	vst.idx.add.f32.msk $0xffff, v2  }
0x127: {  	v4 =	vand.u32 $0x3FF0, v4;
	v12 =	vand.u32 $0x3FF0, v53;
	v22 =	vor.u32 v0, v22;
	[tilespmem:v40+s11+$0x0] =	vst.idx.add.f32.msk $0xffff, v2  }
0x128: {  	v5 =	vand.u32 $0x3FF0, v5;
	v6 =	vand.u32 $0x3FF0, v6;
	v53 =	vand.u32 $0x3FF0, v59;
	[tilespmem:v42+s11+$0x0] =	vst.idx.add.f32.msk $0xffff, v2  }
0x129: {  	v54 =	vor.u32 v0, v24;
	v7 =	vand.u32 $0x3FF0, v7;
	v1 =	vor.u32 v0, v1;
	[tilespmem:v43+s11+$0x0] =	vst.idx.add.f32.msk $0xffff, v2  }
0x12a: {  	v34 =	vand.u32 $0x3FF0, v62;
	v10 =	vor.u32 v0, v28;
	v38 =	vor.u32 v0, v29;
	[tilespmem:v36+s11+$0x0] =	vst.idx.add.f32.msk $0xffff, v2  }
0x12b: {  	v58 =	vor.u32 v0, v31;
	v60 =	vor.u32 v0, v32;
	v24 =	vand.u32 $0x3FFF, v45;
	[tilespmem:v8+s11+$0x0] =	vst.idx.add.f32.msk $0xffff, v2  }
0x12c: {  	v33 =	vshrl.u32 v63, $0x6;
	v63 =	vshrl.u32 v47, $0x6;
	v47 =	vshrl.u32 v47, $0x10;
	[tilespmem:v22+s11+$0x0] =	vst.idx.add.f32.msk $0xffff, v2  }
0x12d: {  	v11 =	vor.u32 v0, v5;
	v5 =	vand.u32 $0x3FFF, v54;
	v36 =	vshrl.u32 v35, $0x6;
	[tilespmem:v55+s11+$0x0] =	vst.idx.add.f32.msk $0xffff, v2  }
0x12e: {  	v35 =	vshrl.u32 v35, $0x10;
	v19 =	vand.u32 $0x3FF0, v33;
	v33 =	vor.u32 v0, v50;
	[tilespmem:v57+s11+$0x0] =	vst.idx.add.f32.msk $0xffff, v2  }
0x12f: {  	v13 =	vand.u32 $0x3FF0, v63;
	v47 =	vand.u32 $0x3FF0, v47;
	[tilespmem:v1+s11+$0x0] =	vst.idx.add.f32.msk $0xffff, v2;
	v18 =	vand.u32 $0x3FF0, v36  }
0x130: {  	v36 =	vor.u32 v0, v51;
	v51 =	vand.u32 $0x3FF0, v56;
	v56 =	vor.u32 v0, v30;
	[tilespmem:v23+s11+$0x0] =	vst.idx.add.f32.msk $0xffff, v2  }
0x131: {  	v50 =	vor.u32 v0, v26;
	v26 =	vor.u32 v0, v16;
	v59 =	vor.u32 v0, v19;
	v23 =	vld [tilespmem:$0x1FF90]  }
0x132: {  	v22 =	vor.u32 v0, v41;
	v8 =	vor.u32 v0, v6;
	v33 =	vand.u32 $0x3FFF, v33;
	[tilespmem:v10+s11+$0x0] =	vst.idx.add.f32.msk $0xffff, v2  }
0x133: {  	v6 =	vor.u32 v0, v53;
	v1 =	vshrl.u32 v37, $0x6;
	v37 =	vshrl.u32 v37, $0x10;
	[tilespmem:v38+s11+$0x0] =	vst.idx.add.f32.msk $0xffff, v2  }
0x134: {  	v35 =	vand.u32 $0x3FF0, v35;
	v19 =	vor.u32 v0, v44;
	v16 =	vor.u32 v0, v47;
	[tilespmem:v58+s11+$0x0] =	vst.idx.add.f32.msk $0xffff, v2  }
0x135: {  	v17 =	vand.u32 $0x3FF0, v37;
	v37 =	vor.u32 v0, v52;
	v52 =	vor.u32 v0, v25;
	[tilespmem:v56+s11+$0x0] =	vst.idx.add.f32.msk $0xffff, v2  }
0x136: {  	v1 =	vand.u32 $0x3FF0, v1;
	v32 =	vor.u32 v0, v18;
	v31 =	vor.u32 v0, v35;
	[tilespmem:v59+s11+$0x0] =	vst.idx.add.f32.msk $0xffff, v2  }
0x137: {  	p0 =	slt.u32 s18, $0x4F0;
	v30 =	vand.u32 $0x3FFF, v36;
	v25 =	vor.u32 v0, v39;
	v10 =	vor.u32 v0, v51;
	[tilespmem:v33+s11+$0x0] =	vst.idx.add.f32.msk $0xffff, v2  }
.Ltmp2:
0x138: {  	v18 =	vand.u32 $0x3FFF, v48;
	v29 =	vor.u32 v0, v1;
	v28 =	vor.u32 v0, v17;
	[tilespmem:v60+s11+$0x0] =	vst.idx.add.f32.msk $0xffff, v2;
	(pc) =	sbr.rel @p0 .LBB2_6-.Ltmp2, $4  }
0x139: {  	v27 =	vand.u32 $0x3FFF, v37;
	v17 =	vor.u32 v0, v13;
	v13 =	vor.u32 v0, v12;
	[tilespmem:v23+s11+$0x0] =	vst.idx.add.f32.msk $0xffff, v2  }
0x13a: {  	v12 =	vand.u32 $0x3FFF, v50;
	v9 =	vand.u32 $0x3FFF, v52;
	v1 =	vor.u32 v0, v34;
	[tilespmem:v21+s11+$0x0] =	vst.idx.add.f32.msk $0xffff, v2  }
0x13b: {  	v23 =	vor.u32 v0, v15;
	v15 =	vand.u32 $0x3FFF, v49;
	v21 =	vand.u32 $0x3FFF, v46;
	[tilespmem:v20+s11+$0x0] =	vst.idx.add.f32.msk $0xffff, v2  }
0x13c: {  	v20 =	vor.u32 v0, v14;
	v14 =	vor.u32 v0, v4;
	v4 =	vor.u32 v0, v7  }
0x13d: {  	_ =	sdelay $0x3  }
0x13e: {  	[tilespmem:v32+s11+$0x0] =	vst.idx.add.f32.msk $0xffff, v2  }
0x13f: {  	[tilespmem:v30+s11+$0x0] =	vst.idx.add.f32.msk $0xffff, v2  }
0x140: {  	[tilespmem:v27+s11+$0x0] =	vst.idx.add.f32.msk $0xffff, v2  }
0x141: {  	[tilespmem:v24+s11+$0x0] =	vst.idx.add.f32.msk $0xffff, v2  }
0x142: {  	[tilespmem:v21+s11+$0x0] =	vst.idx.add.f32.msk $0xffff, v2  }
0x143: {  	[tilespmem:v18+s11+$0x0] =	vst.idx.add.f32.msk $0xffff, v2  }
0x144: {  	[tilespmem:v15+s11+$0x0] =	vst.idx.add.f32.msk $0xffff, v2  }
0x145: {  	[tilespmem:v12+s11+$0x0] =	vst.idx.add.f32.msk $0xffff, v2  }
0x146: {  	[tilespmem:v9+s11+$0x0] =	vst.idx.add.f32.msk $0xffff, v2  }
0x147: {  	[tilespmem:v5+s11+$0x0] =	vst.idx.add.f32.msk $0xffff, v2  }
0x148: {  	[tilespmem:v31+s11+$0x0] =	vst.idx.add.f32.msk $0xffff, v2  }
0x149: {  	[tilespmem:v29+s11+$0x0] =	vst.idx.add.f32.msk $0xffff, v2  }
0x14a: {  	[tilespmem:v26+s11+$0x0] =	vst.idx.add.f32.msk $0xffff, v2  }
0x14b: {  	[tilespmem:v23+s11+$0x0] =	vst.idx.add.f32.msk $0xffff, v2  }
0x14c: {  	[tilespmem:v20+s11+$0x0] =	vst.idx.add.f32.msk $0xffff, v2  }
0x14d: {  	[tilespmem:v17+s11+$0x0] =	vst.idx.add.f32.msk $0xffff, v2  }
0x14e: {  	[tilespmem:v14+s11+$0x0] =	vst.idx.add.f32.msk $0xffff, v2  }
0x14f: {  	[tilespmem:v11+s11+$0x0] =	vst.idx.add.f32.msk $0xffff, v2  }
0x150: {  	[tilespmem:v8+s11+$0x0] =	vst.idx.add.f32.msk $0xffff, v2  }
0x151: {  	[tilespmem:v4+s11+$0x0] =	vst.idx.add.f32.msk $0xffff, v2  }
0x152: {  	[tilespmem:v28+s11+$0x0] =	vst.idx.add.f32.msk $0xffff, v2  }
0x153: {  	[tilespmem:v25+s11+$0x0] =	vst.idx.add.f32.msk $0xffff, v2  }
0x154: {  	[tilespmem:v22+s11+$0x0] =	vst.idx.add.f32.msk $0xffff, v2  }
0x155: {  	[tilespmem:v19+s11+$0x0] =	vst.idx.add.f32.msk $0xffff, v2  }
0x156: {  	[tilespmem:v16+s11+$0x0] =	vst.idx.add.f32.msk $0xffff, v2  }
0x157: {  	[tilespmem:v13+s11+$0x0] =	vst.idx.add.f32.msk $0xffff, v2  }
0x158: {  	[tilespmem:v10+s11+$0x0] =	vst.idx.add.f32.msk $0xffff, v2  }
0x159: {  	[tilespmem:v6+s11+$0x0] =	vst.idx.add.f32.msk $0xffff, v2  }
0x15a: {  	s17 =	simm.s32 $0x0;
	s18 =	simm.s32 $0x0;
	s20 =	simm.s32 $0x0;
	[tilespmem:v1+s11+$0x0] =	vst.idx.add.f32.msk $0xffff, v2  }
0x15b: {  	[tilespmem:s9], [sflag:$0x2] =	stream.linear.gather [hbm4b:s6+s17], $0x5000, $0x38;
	[tilespmem:$0x10700] =	vst v63  }
0x15c: {  	s18 =	sand.u32 $0x7000, s18;
	s19 =	sand.u32 $0x800, s17;
	_ =	swait.ge [sflag:s10], $0x6000  }
0x15d: {  	s20 =	sand.u32 $0x380, s20;
	s18 =	sor.u32 s19, s18;
	[sflag:s10] =	ssyncset.done $0x0  }
0x15e: {  	s18 =	sor.u32 s20, s18;
	[sflag:s10] =	ssyncadd.s32 $0xFFFFA000  }
0x15f: {  	v4 =	vld [tilespmem:s18+$0x0]  }
0x160: {  	v5 =	vld [tilespmem:s18+$0x10]  }
0x161: {  	v1 =	vld [tilespmem:s18+$0x20]  }
0x162: {  	v45 =	vld [tilespmem:s18+$0x30]  }
0x163: {  	v6 =	vld [tilespmem:s18+$0x400]  }
0x164: {  	v47 =	vld [tilespmem:s18+$0x50]  }
0x165: {  	v48 =	vld [tilespmem:s18+$0x70]  }
0x166: {  	v46 =	vld [tilespmem:s18+$0x40]  }
0x167: {  	v56 =	vld [tilespmem:s18+$0x450]  }
0x168: {  	v9 =	vld [tilespmem:s18+$0x60];
	v7 =	vshll.u32 v6, $0x4;
	v49 =	vshrl.u32 v6, $0x6  }
0x169: {  	v8 =	vld [tilespmem:s18+$0x410];
	v6 =	vshrl.u32 v6, $0x10;
	v51 =	vshll.u32 v47, $0x4;
	v50 =	vand.u32 $0x3FF0, v7  }
0x16a: {  	v14 =	vld [tilespmem:s18+$0x420];
	v54 =	vshll.u32 v48, $0x4;
	v17 =	vand.u32 $0x3FF0, v51;
	v16 =	vadd.s32 v3, v50  }
0x16b: {  	v52 =	vld [tilespmem:s18+$0x440];
	v55 =	vshll.u32 v46, $0x4;
	v20 =	vand.u32 $0x3FF0, v54;
	v17 =	vadd.s32 v3, v17  }
0x16c: {  	v57 =	vld [tilespmem:s18+$0x460];
	v32 =	vshll.u32 v56, $0x4;
	v21 =	vand.u32 $0x3FF0, v55;
	v20 =	vadd.s32 v3, v20  }
0x16d: {  	v58 =	vshrl.u32 v48, $0x6;
	v7 =	vld [tilespmem:s18+$0x430];
	v33 =	vand.u32 $0x3FF0, v32;
	v21 =	vadd.s32 v3, v21  }
0x16e: {  	v15 =	vand.u32 $0x3FF0, v49;
	v53 =	vand.u32 $0x3FF0, v6;
	v6 =	vld [tilespmem:s18+$0x470];
	v35 =	vadd.s32 v3, v33  }
0x16f: {  	v59 =	vand.u32 $0x3FF0, v58;
	v15 =	vadd.s32 v3, v15;
	[tilespmem:v16+s11+$0x0] =	vst.idx.add.f32.msk $0xffff, v2  }
0x170: {  	v13 =	vshrl.u32 v48, $0x10;
	v60 =	vshll.u32 v1, $0x4;
	v61 =	vadd.s32 v3, v59;
	[tilespmem:v17+s11+$0x0] =	vst.idx.add.f32.msk $0xffff, v2  }
0x171: {  	v63 =	vshrl.u32 v47, $0x6;
	v13 =	vand.u32 $0x3FF0, v13;
	v19 =	vadd.s32 v3, v53;
	[tilespmem:v20+s11+$0x0] =	vst.idx.add.f32.msk $0xffff, v2  }
0x172: {  	v27 =	vshrl.u32 v1, $0x6;
	v62 =	vand.u32 $0x3FF0, v60;
	v13 =	vadd.s32 v3, v13;
	[tilespmem:v21+s11+$0x0] =	vst.idx.add.f32.msk $0xffff, v2  }
0x173: {  	v28 =	vshll.u32 v45, $0x4;
	v16 =	vadd.s32 v3, v62;
	v17 =	vand.u32 $0x3FF0, v27;
	[tilespmem:v35+s11+$0x0] =	vst.idx.add.f32.msk $0xffff, v2  }
0x174: {  	v12 =	vshrl.u32 v47, $0x10;
	v20 =	vand.u32 $0x3FF0, v28;
	[tilespmem:v15+s11+$0x0] =	vst.idx.add.f32.msk $0xffff, v2;
	v17 =	vadd.s32 v3, v17  }
0x175: {  	v1 =	vshrl.u32 v1, $0x10;
	v26 =	vand.u32 $0x3FF0, v63;
	[tilespmem:v61+s11+$0x0] =	vst.idx.add.f32.msk $0xffff, v2;
	v31 =	vadd.s32 v3, v20  }
0x176: {  	v29 =	vshrl.u32 v46, $0x6;
	v1 =	vand.u32 $0x3FF0, v1;
	[tilespmem:v19+s11+$0x0] =	vst.idx.add.f32.msk $0xffff, v2;
	v19 =	vadd.s32 v3, v26  }
0x177: {  	v37 =	vshrl.u32 v45, $0x6;
	v30 =	vand.u32 $0x3FF0, v29;
	v1 =	vadd.s32 v3, v1;
	[tilespmem:v13+s11+$0x0] =	vst.idx.add.f32.msk $0xffff, v2  }
0x178: {  	v11 =	vshrl.u32 v46, $0x10;
	v38 =	vand.u32 $0x3FF0, v37;
	v13 =	vadd.s32 v3, v30;
	[tilespmem:v16+s11+$0x0] =	vst.idx.add.f32.msk $0xffff, v2  }
0x179: {  	v34 =	vshll.u32 v14, $0x4;
	v12 =	vand.u32 $0x3FF0, v12;
	v10 =	vadd.s32 v3, v38;
	[tilespmem:v17+s11+$0x0] =	vst.idx.add.f32.msk $0xffff, v2  }
0x17a: {  	v36 =	vshll.u32 v52, $0x4;
	v11 =	vand.u32 $0x3FF0, v11;
	v12 =	vadd.s32 v3, v12;
	[tilespmem:v31+s11+$0x0] =	vst.idx.add.f32.msk $0xffff, v2  }
0x17b: {  	v39 =	vshrl.u32 v52, $0x6;
	v11 =	vadd.s32 v3, v11;
	v16 =	vand.u32 $0x3FF0, v36;
	[tilespmem:v19+s11+$0x0] =	vst.idx.add.f32.msk $0xffff, v2  }
0x17c: {  	v46 =	vshll.u32 v57, $0x4;
	v15 =	vand.u32 $0x3FF0, v39;
	v16 =	vadd.s32 v3, v16;
	[tilespmem:v1+s11+$0x0] =	vst.idx.add.f32.msk $0xffff, v2  }
0x17d: {  	v40 =	vshll.u32 v8, $0x4;
	v15 =	vadd.s32 v3, v15;
	v17 =	vand.u32 $0x3FF0, v46;
	[tilespmem:v13+s11+$0x0] =	vst.idx.add.f32.msk $0xffff, v2  }
0x17e: {  	v19 =	vand.u32 $0x3FF0, v34;
	v1 =	vshrl.u32 v45, $0x10;
	[tilespmem:v10+s11+$0x0] =	vst.idx.add.f32.msk $0xffff, v2;
	v17 =	vadd.s32 v3, v17  }
0x17f: {  	v41 =	vshrl.u32 v8, $0x6;
	[tilespmem:v12+s11+$0x0] =	vst.idx.add.f32.msk $0xffff, v2;
	v19 =	vadd.s32 v3, v19;
	v1 =	vand.u32 $0x3FF0, v1  }
0x180: {  	v47 =	vshrl.u32 v52, $0x10;
	v13 =	vand.u32 $0x3FF0, v40;
	[tilespmem:v11+s11+$0x0] =	vst.idx.add.f32.msk $0xffff, v2;
	v1 =	vadd.s32 v3, v1  }
0x181: {  	v43 =	vshrl.u32 v56, $0x6;
	v10 =	vand.u32 $0x3FF0, v47;
	v13 =	vadd.s32 v3, v13;
	[tilespmem:v16+s11+$0x0] =	vst.idx.add.f32.msk $0xffff, v2  }
0x182: {  	v44 =	vshrl.u32 v56, $0x10;
	v42 =	vand.u32 $0x3FF0, v41;
	v10 =	vadd.s32 v3, v10;
	[tilespmem:v15+s11+$0x0] =	vst.idx.add.f32.msk $0xffff, v2  }
0x183: {  	v8 =	vshrl.u32 v8, $0x10;
	v11 =	vadd.s32 v3, v42;
	v12 =	vand.u32 $0x3FF0, v43;
	[tilespmem:v17+s11+$0x0] =	vst.idx.add.f32.msk $0xffff, v2  }
0x184: {  	v48 =	vshrl.u32 v14, $0x6;
	v8 =	vand.u32 $0x3FF0, v8;
	v12 =	vadd.s32 v3, v12;
	[tilespmem:v19+s11+$0x0] =	vst.idx.add.f32.msk $0xffff, v2  }
0x185: {  	v8 =	vadd.s32 v3, v8;
	v45 =	vand.u32 $0x3FF0, v44;
	[tilespmem:v1+s11+$0x0] =	vst.idx.add.f32.msk $0xffff, v2;
	v1 =	vshll.u32 v5, $0x4  }
0x186: {  	v14 =	vshrl.u32 v14, $0x10;
	v16 =	vadd.s32 v3, v45;
	[tilespmem:v13+s11+$0x0] =	vst.idx.add.f32.msk $0xffff, v2;
	v1 =	vand.u32 $0x3FF0, v1  }
0x187: {  	v52 =	vshll.u32 v4, $0x4;
	v49 =	vand.u32 $0x3FF0, v48;
	[tilespmem:v10+s11+$0x0] =	vst.idx.add.f32.msk $0xffff, v2;
	v1 =	vadd.s32 v3, v1  }
0x188: {  	v56 =	vshrl.u32 v57, $0x6;
	v15 =	vand.u32 $0x3FF0, v52;
	v13 =	vadd.s32 v3, v49;
	[tilespmem:v11+s11+$0x0] =	vst.idx.add.f32.msk $0xffff, v2  }
0x189: {  	v14 =	vand.u32 $0x3FF0, v14;
	v51 =	vshll.u32 v9, $0x4;
	v15 =	vadd.s32 v3, v15;
	[tilespmem:v12+s11+$0x0] =	vst.idx.add.f32.msk $0xffff, v2  }
0x18a: {  	v14 =	vadd.s32 v3, v14;
	v53 =	vshrl.u32 v9, $0x6;
	v12 =	vand.u32 $0x3FF0, v51;
	[tilespmem:v8+s11+$0x0] =	vst.idx.add.f32.msk $0xffff, v2  }
0x18b: {  	v9 =	vshrl.u32 v9, $0x10;
	v54 =	vand.u32 $0x3FF0, v53;
	v12 =	vadd.s32 v3, v12;
	[tilespmem:v16+s11+$0x0] =	vst.idx.add.f32.msk $0xffff, v2  }
0x18c: {  	v57 =	vshrl.u32 v57, $0x10;
	v55 =	vadd.s32 v3, v54;
	[tilespmem:v1+s11+$0x0] =	vst.idx.add.f32.msk $0xffff, v2;
	v1 =	vand.u32 $0x3FF0, v9  }
0x18d: {  	v50 =	vshll.u32 v7, $0x4;
	v10 =	vand.u32 $0x3FF0, v56;
	[tilespmem:v13+s11+$0x0] =	vst.idx.add.f32.msk $0xffff, v2;
	v1 =	vadd.s32 v3, v1  }
0x18e: {  	v58 =	vshrl.u32 v4, $0x6;
	v11 =	vand.u32 $0x3FF0, v50;
	v10 =	vadd.s32 v3, v10;
	[tilespmem:v15+s11+$0x0] =	vst.idx.add.f32.msk $0xffff, v2  }
0x18f: {  	v60 =	vshrl.u32 v7, $0x6;
	v11 =	vadd.s32 v3, v11;
	v13 =	vand.u32 $0x3FF0, v57;
	[tilespmem:v14+s11+$0x0] =	vst.idx.add.f32.msk $0xffff, v2  }
0x190: {  	v7 =	vshrl.u32 v7, $0x10;
	v13 =	vadd.s32 v3, v13;
	[tilespmem:v12+s11+$0x0] =	vst.idx.add.f32.msk $0xffff, v2;
	v12 =	vand.u32 $0x3FF0, v60  }
0x191: {  	v7 =	vand.u32 $0x3FF0, v7;
	v61 =	vshrl.u32 v5, $0x6;
	[tilespmem:v55+s11+$0x0] =	vst.idx.add.f32.msk $0xffff, v2;
	v12 =	vadd.s32 v3, v12  }
0x192: {  	v7 =	vadd.s32 v3, v7;
	[tilespmem:v1+s11+$0x0] =	vst.idx.add.f32.msk $0xffff, v2;
	v1 =	vshrl.u32 v5, $0x10;
	v5 =	vand.u32 $0x3FF0, v61  }
0x193: {  	v59 =	vand.u32 $0x3FF0, v58;
	v62 =	vshll.u32 v6, $0x4;
	[tilespmem:v10+s11+$0x0] =	vst.idx.add.f32.msk $0xffff, v2;
	v5 =	vadd.s32 v3, v5  }
0x194: {  	v8 =	vshrl.u32 v6, $0x10;
	[tilespmem:v11+s11+$0x0] =	vst.idx.add.f32.msk $0xffff, v2;
	v11 =	vadd.s32 v3, v59;
	v1 =	vand.u32 $0x3FF0, v1  }
0x195: {  	v6 =	vshrl.u32 v6, $0x6;
	v9 =	vand.u32 $0x3FF0, v62;
	[tilespmem:v13+s11+$0x0] =	vst.idx.add.f32.msk $0xffff, v2;
	v1 =	vadd.s32 v3, v1  }
0x196: {  	v4 =	vshrl.u32 v4, $0x10;
	v63 =	vand.u32 $0x3FF0, v6;
	v6 =	vadd.s32 v3, v9;
	[tilespmem:v12+s11+$0x0] =	vst.idx.add.f32.msk $0xffff, v2  }
0x197: {  	v8 =	vand.u32 $0x3FF0, v8;
	[tilespmem:v7+s11+$0x0] =	vst.idx.add.f32.msk $0xffff, v2;
	v7 =	vand.u32 $0x3FF0, v4;
	v4 =	vadd.s32 v3, v63  }
0x198: {  	[tilespmem:v5+s11+$0x0] =	vst.idx.add.f32.msk $0xffff, v2;
	v5 =	vadd.s32 v3, v8  }
0x199: {  	[tilespmem:v11+s11+$0x0] =	vst.idx.add.f32.msk $0xffff, v2;
	v7 =	vadd.s32 v3, v7  }
0x19a: {  	s18 =	simm.s32 $0x0;
	[tilespmem:v1+s11+$0x0] =	vst.idx.add.f32.msk $0xffff, v2  }
.LBB2_8:
0x19b: {  	s18 =	sadd.s32 $0x10, s18;
	[tilespmem:v6+s11+$0x0] =	vst.idx.add.f32.msk $0xffff, v2;
	s17 =	sadd.s32 $0x800, s17  }
0x19c: {  	s19 =	sshll.u32 s18, $0x4;
	p0 =	slt.u32 s18, $0x5F0;
	[tilespmem:v4+s11+$0x0] =	vst.idx.add.f32.msk $0xffff, v2  }
0x19d: {  	s20 =	sand.u32 $0x800, s17;
	s21 =	sshll.u32 s18, $0x2;
	s19 =	sand.u32 $0x7000, s19;
	[tilespmem:v5+s11+$0x0] =	vst.idx.add.f32.msk $0xffff, v2  }
0x19e: {  	s21 =	sand.u32 $0x380, s21;
	s19 =	sor.u32 s20, s19;
	[tilespmem:v7+s11+$0x0] =	vst.idx.add.f32.msk $0xffff, v2  }
0x19f: {  	s19 =	sor.u32 s21, s19  }
0x1a0: {  	v1 =	vld [tilespmem:s19+$0x0]  }
0x1a1: {  	v4 =	vld [tilespmem:s19+$0x10]  }
0x1a2: {  	v19 =	vld [tilespmem:s19+$0x20]  }
0x1a3: {  	v20 =	vld [tilespmem:s19+$0x30]  }
0x1a4: {  	v21 =	vld [tilespmem:s19+$0x40]  }
0x1a5: {  	v8 =	vshll.u32 v1, $0x4;
	v6 =	vshrl.u32 v1, $0x6;
	v7 =	vshrl.u32 v1, $0x10;
	v1 =	vld [tilespmem:s19+$0x50]  }
0x1a6: {  	v9 =	vshll.u32 v4, $0x4;
	v5 =	vshrl.u32 v4, $0x6;
	v4 =	vshrl.u32 v4, $0x10;
	v10 =	vld [tilespmem:s19+$0x60]  }
0x1a7: {  	v5 =	vand.u32 $0x3FF0, v5;
	v4 =	vand.u32 $0x3FF0, v4;
	v13 =	vshrl.u32 v19, $0x10;
	v22 =	vld [tilespmem:s19+$0x70]  }
0x1a8: {  	v8 =	vand.u32 $0x3FF0, v8;
	v11 =	vand.u32 $0x3FF0, v9;
	v9 =	vshrl.u32 v20, $0x10;
	v17 =	vld [tilespmem:s19+$0x400]  }
0x1a9: {  	v14 =	vshll.u32 v19, $0x4;
	v9 =	vand.u32 $0x3FF0, v9;
	v15 =	vshll.u32 v21, $0x4;
	v18 =	vld [tilespmem:s19+$0x410]  }
0x1aa: {  	v12 =	vadd.s32 v3, v9;
	v23 =	vand.u32 $0x3FF0, v15;
	v24 =	vshll.u32 v1, $0x4;
	v16 =	vld [tilespmem:s19+$0x420]  }
0x1ab: {  	v25 =	vand.u32 $0x3FF0, v14;
	v26 =	vand.u32 $0x3FF0, v13;
	v9 =	vshrl.u32 v10, $0x10;
	v15 =	vld [tilespmem:s19+$0x430]  }
0x1ac: {  	v14 =	vshll.u32 v10, $0x4;
	v10 =	vshrl.u32 v10, $0x6;
	v27 =	vand.u32 $0x3FF0, v9;
	v28 =	vld [tilespmem:s19+$0x440]  }
0x1ad: {  	v9 =	vand.u32 $0x3FF0, v10;
	v10 =	vshll.u32 v17, $0x4;
	v29 =	vshrl.u32 v17, $0x6;
	v13 =	vld [tilespmem:s19+$0x470]  }
0x1ae: {  	v9 =	vadd.s32 v3, v9;
	v10 =	vand.u32 $0x3FF0, v10;
	v29 =	vand.u32 $0x3FF0, v29  }
0x1af: {  	v14 =	vand.u32 $0x3FF0, v14;
	v31 =	vshll.u32 v18, $0x4;
	v30 =	vadd.s32 v3, v10  }
0x1b0: {  	v32 =	vshll.u32 v22, $0x4;
	v17 =	vshrl.u32 v17, $0x10;
	v29 =	vadd.s32 v3, v29;
	v33 =	vld [tilespmem:s19+$0x450]  }
0x1b1: {  	v17 =	vand.u32 $0x3FF0, v17;
	v10 =	vadd.s32 v3, v27;
	v27 =	vand.u32 $0x3FF0, v32;
	v32 =	vld [tilespmem:s19+$0x460]  }
0x1b2: {  	v35 =	vshrl.u32 v18, $0x6;
	v34 =	vadd.s32 v3, v17;
	v17 =	vshrl.u32 v13, $0x10  }
0x1b3: {  	v36 =	vshrl.u32 v18, $0x10;
	v31 =	vand.u32 $0x3FF0, v31;
	v35 =	vand.u32 $0x3FF0, v35  }
0x1b4: {  	v37 =	vshrl.u32 v22, $0x6;
	v27 =	vadd.s32 v3, v27;
	v18 =	vadd.s32 v3, v35;
	[tilespmem:v30+s11+$0x0] =	vst.idx.add.f32.msk $0xffff, v2  }
0x1b5: {  	v24 =	vand.u32 $0x3FF0, v24;
	v35 =	vshrl.u32 v16, $0x6;
	v30 =	vand.u32 $0x3FF0, v37  }
0x1b6: {  	v24 =	vadd.s32 v3, v24;
	v22 =	vshrl.u32 v22, $0x10;
	[tilespmem:v29+s11+$0x0] =	vst.idx.add.f32.msk $0xffff, v2;
	v29 =	vshll.u32 v28, $0x4  }
0x1b7: {  	v22 =	vand.u32 $0x3FF0, v22;
	v37 =	vshrl.u32 v1, $0x6;
	[tilespmem:v34+s11+$0x0] =	vst.idx.add.f32.msk $0xffff, v2;
	v34 =	vshrl.u32 v32, $0x10  }
0x1b8: {  	v25 =	vadd.s32 v3, v25;
	v23 =	vadd.s32 v3, v23;
	v37 =	vand.u32 $0x3FF0, v37  }
0x1b9: {  	v19 =	vshrl.u32 v19, $0x6;
	v1 =	vshrl.u32 v1, $0x10;
	v30 =	vadd.s32 v3, v30  }
0x1ba: {  	v19 =	vand.u32 $0x3FF0, v19;
	v22 =	vadd.s32 v3, v22;
	v1 =	vand.u32 $0x3FF0, v1  }
0x1bb: {  	v38 =	vshll.u32 v20, $0x4;
	v39 =	vshrl.u32 v21, $0x6;
	v21 =	vshrl.u32 v21, $0x10;
	[tilespmem:v24+s11+$0x0] =	vst.idx.add.f32.msk $0xffff, v2  }
0x1bc: {  	v21 =	vand.u32 $0x3FF0, v21;
	v37 =	vadd.s32 v3, v37;
	v24 =	vand.u32 $0x3FF0, v39;
	[tilespmem:v27+s11+$0x0] =	vst.idx.add.f32.msk $0xffff, v2  }
0x1bd: {  	v20 =	vshrl.u32 v20, $0x6;
	v1 =	vadd.s32 v3, v1;
	v27 =	vand.u32 $0x3FF0, v38;
	[tilespmem:v23+s11+$0x0] =	vst.idx.add.f32.msk $0xffff, v2  }
0x1be: {  	v19 =	vadd.s32 v3, v19;
	v20 =	vand.u32 $0x3FF0, v20;
	v23 =	vadd.s32 v3, v27;
	[tilespmem:v30+s11+$0x0] =	vst.idx.add.f32.msk $0xffff, v2  }
0x1bf: {  	v26 =	vadd.s32 v3, v26;
	v27 =	vshll.u32 v33, $0x4;
	[tilespmem:v22+s11+$0x0] =	vst.idx.add.f32.msk $0xffff, v2;
	v22 =	vshll.u32 v16, $0x4  }
0x1c0: {  	[tilespmem:v25+s11+$0x0] =	vst.idx.add.f32.msk $0xffff, v2;
	v22 =	vand.u32 $0x3FF0, v22;
	v25 =	vand.u32 $0x3FF0, v27;
	v27 =	vshrl.u32 v33, $0x6  }
0x1c1: {  	v24 =	vadd.s32 v3, v24;
	[tilespmem:v37+s11+$0x0] =	vst.idx.add.f32.msk $0xffff, v2;
	v22 =	vadd.s32 v3, v22;
	v27 =	vand.u32 $0x3FF0, v27  }
0x1c2: {  	v21 =	vadd.s32 v3, v21;
	[tilespmem:v1+s11+$0x0] =	vst.idx.add.f32.msk $0xffff, v2;
	v1 =	vadd.s32 v3, v25;
	v25 =	vshrl.u32 v33, $0x10  }
0x1c3: {  	[tilespmem:v19+s11+$0x0] =	vst.idx.add.f32.msk $0xffff, v2;
	v19 =	vand.u32 $0x3FF0, v29;
	v29 =	vshrl.u32 v28, $0x6;
	v25 =	vand.u32 $0x3FF0, v25  }
0x1c4: {  	v28 =	vshrl.u32 v28, $0x10;
	[tilespmem:v26+s11+$0x0] =	vst.idx.add.f32.msk $0xffff, v2;
	v19 =	vadd.s32 v3, v19;
	v26 =	vand.u32 $0x3FF0, v29  }
0x1c5: {  	v20 =	vadd.s32 v3, v20;
	v28 =	vand.u32 $0x3FF0, v28;
	[tilespmem:v23+s11+$0x0] =	vst.idx.add.f32.msk $0xffff, v2;
	v23 =	vand.u32 $0x3FF0, v35  }
0x1c6: {  	v29 =	vshrl.u32 v32, $0x6;
	[tilespmem:v24+s11+$0x0] =	vst.idx.add.f32.msk $0xffff, v2;
	v24 =	vadd.s32 v3, v26;
	v26 =	vshll.u32 v32, $0x4  }
0x1c7: {  	[tilespmem:v1+s11+$0x0] =	vst.idx.add.f32.msk $0xffff, v2;
	v1 =	vand.u32 $0x3FF0, v26;
	v26 =	vand.u32 $0x3FF0, v29;
	v29 =	vand.u32 $0x3FF0, v34  }
0x1c8: {  	v16 =	vshrl.u32 v16, $0x10;
	[tilespmem:v21+s11+$0x0] =	vst.idx.add.f32.msk $0xffff, v2;
	v21 =	vadd.s32 v3, v31;
	v1 =	vadd.s32 v3, v1  }
0x1c9: {  	v30 =	vshrl.u32 v15, $0x6;
	v27 =	vadd.s32 v3, v27;
	[tilespmem:v22+s11+$0x0] =	vst.idx.add.f32.msk $0xffff, v2;
	v22 =	vshll.u32 v15, $0x4  }
0x1ca: {  	v30 =	vand.u32 $0x3FF0, v30;
	v22 =	vand.u32 $0x3FF0, v22;
	[tilespmem:v19+s11+$0x0] =	vst.idx.add.f32.msk $0xffff, v2;
	v19 =	vadd.s32 v3, v25  }
0x1cb: {  	v15 =	vshrl.u32 v15, $0x10;
	[tilespmem:v20+s11+$0x0] =	vst.idx.add.f32.msk $0xffff, v2;
	v20 =	vadd.s32 v3, v22;
	v22 =	vadd.s32 v3, v28  }
0x1cc: {  	v16 =	vand.u32 $0x3FF0, v16;
	v15 =	vand.u32 $0x3FF0, v15;
	[tilespmem:v12+s11+$0x0] =	vst.idx.add.f32.msk $0xffff, v2;
	v12 =	vadd.s32 v3, v23  }
0x1cd: {  	v11 =	vadd.s32 v3, v11;
	v16 =	vadd.s32 v3, v16;
	v23 =	vand.u32 $0x3FF0, v36;
	[tilespmem:v24+s11+$0x0] =	vst.idx.add.f32.msk $0xffff, v2  }
0x1ce: {  	v17 =	vand.u32 $0x3FF0, v17;
	[tilespmem:v21+s11+$0x0] =	vst.idx.add.f32.msk $0xffff, v2;
	v21 =	vshll.u32 v13, $0x4;
	v13 =	vshrl.u32 v13, $0x6  }
0x1cf: {  	v14 =	vadd.s32 v3, v14;
	[tilespmem:v18+s11+$0x0] =	vst.idx.add.f32.msk $0xffff, v2;
	v18 =	vand.u32 $0x3FF0, v21;
	v13 =	vand.u32 $0x3FF0, v13  }
0x1d0: {  	v6 =	vand.u32 $0x3FF0, v6;
	v7 =	vand.u32 $0x3FF0, v7;
	v8 =	vadd.s32 v3, v8;
	[tilespmem:v27+s11+$0x0] =	vst.idx.add.f32.msk $0xffff, v2  }
0x1d1: {  	[tilespmem:v19+s11+$0x0] =	vst.idx.add.f32.msk $0xffff, v2;
	v19 =	vadd.s32 v3, v26  }
0x1d2: {  	[tilespmem:v1+s11+$0x0] =	vst.idx.add.f32.msk $0xffff, v2;
	v1 =	vadd.s32 v3, v29  }
0x1d3: {  	[tilespmem:v22+s11+$0x0] =	vst.idx.add.f32.msk $0xffff, v2  }
0x1d4: {  	[tilespmem:v11+s11+$0x0] =	vst.idx.add.f32.msk $0xffff, v2  }
0x1d5: {  	v11 =	vadd.s32 v3, v23;
	[tilespmem:v12+s11+$0x0] =	vst.idx.add.f32.msk $0xffff, v2  }
0x1d6: {  	[tilespmem:v16+s11+$0x0] =	vst.idx.add.f32.msk $0xffff, v2  }
0x1d7: {  	v12 =	vadd.s32 v3, v30;
	[tilespmem:v20+s11+$0x0] =	vst.idx.add.f32.msk $0xffff, v2  }
0x1d8: {  	[tilespmem:v14+s11+$0x0] =	vst.idx.add.f32.msk $0xffff, v2;
	v14 =	vadd.s32 v3, v15  }
0x1d9: {  	[tilespmem:v8+s11+$0x0] =	vst.idx.add.f32.msk $0xffff, v2;
	v8 =	vadd.s32 v3, v6  }
0x1da: {  	v15 =	vadd.s32 v3, v5;
	[tilespmem:v9+s11+$0x0] =	vst.idx.add.f32.msk $0xffff, v2  }
0x1db: {  	v9 =	vadd.s32 v3, v4;
	[tilespmem:v10+s11+$0x0] =	vst.idx.add.f32.msk $0xffff, v2  }
0x1dc: {  	v6 =	vadd.s32 v3, v18;
	[tilespmem:v19+s11+$0x0] =	vst.idx.add.f32.msk $0xffff, v2  }
0x1dd: {  	v4 =	vadd.s32 v3, v13;
	[tilespmem:v1+s11+$0x0] =	vst.idx.add.f32.msk $0xffff, v2  }
0x1de: {  	v5 =	vadd.s32 v3, v17;
	[tilespmem:v8+s11+$0x0] =	vst.idx.add.f32.msk $0xffff, v2  }
.Ltmp3:
0x1df: {  	[tilespmem:v11+s11+$0x0] =	vst.idx.add.f32.msk $0xffff, v2;
	(pc) =	sbr.rel @p0 .LBB2_8-.Ltmp3, $4  }
0x1e0: {  	[tilespmem:v12+s11+$0x0] =	vst.idx.add.f32.msk $0xffff, v2  }
0x1e1: {  	v7 =	vadd.s32 v3, v7;
	[tilespmem:v14+s11+$0x0] =	vst.idx.add.f32.msk $0xffff, v2  }
0x1e2: {  	[tilespmem:v15+s11+$0x0] =	vst.idx.add.f32.msk $0xffff, v2  }
0x1e3: {  	[tilespmem:v9+s11+$0x0] =	vst.idx.add.f32.msk $0xffff, v2  }
0x1e4: {  	_ =	sdelay $0x3  }
0x1e5: {  	[tilespmem:v6+s11+$0x0] =	vst.idx.add.f32.msk $0xffff, v2  }
0x1e6: {  	[tilespmem:v7+s11+$0x0] =	vst.idx.add.f32.msk $0xffff, v2  }
0x1e7: {  	[tilespmem:v4+s11+$0x0] =	vst.idx.add.f32.msk $0xffff, v2  }
0x1e8: {  	s17 =	simm.s32 $0x0;
	s18 =	simm.s32 $0x0;
	s20 =	simm.s32 $0x0;
	[tilespmem:v5+s11+$0x0] =	vst.idx.add.f32.msk $0xffff, v2  }
0x1e9: {  	s18 =	sand.u32 $0x7000, s18;
	s19 =	sand.u32 $0x800, s17;
	_ =	swait.ge [sflag:s12], $0x5000  }
0x1ea: {  	s20 =	sand.u32 $0x380, s20;
	s18 =	sor.u32 s19, s18;
	[sflag:s12] =	ssyncset.done $0x0  }
0x1eb: {  	s18 =	sor.u32 s20, s18;
	[sflag:s12] =	ssyncadd.s32 $0xFFFFB000  }
0x1ec: {  	v1 =	vld [tilespmem:s18+$0x6010]  }
0x1ed: {  	v11 =	vld [tilespmem:s18+$0x6030]  }
0x1ee: {  	v6 =	vld [tilespmem:s18+$0x6400]  }
0x1ef: {  	v14 =	vld [tilespmem:s18+$0x6070]  }
0x1f0: {  	v13 =	vld [tilespmem:s18+$0x6050]  }
0x1f1: {  	v17 =	vld [tilespmem:s18+$0x6440]  }
0x1f2: {  	v4 =	vld [tilespmem:s18+$0x6000];
	v5 =	vshll.u32 v1, $0x4  }
0x1f3: {  	v10 =	vld [tilespmem:s18+$0x6020];
	v9 =	vshrl.u32 v1, $0x6;
	v1 =	vshrl.u32 v1, $0x10;
	v60 =	vshll.u32 v6, $0x4  }
0x1f4: {  	v8 =	vld [tilespmem:s18+$0x6410];
	v61 =	vshrl.u32 v6, $0x10;
	v22 =	vshll.u32 v14, $0x4;
	v5 =	vand.u32 $0x3FF0, v5  }
0x1f5: {  	v12 =	vld [tilespmem:s18+$0x6040];
	v23 =	vshll.u32 v13, $0x4;
	v24 =	vshll.u32 v11, $0x4;
	v5 =	vadd.s32 v3, v5  }
0x1f6: {  	v7 =	vld [tilespmem:s18+$0x6060];
	v42 =	vshll.u32 v17, $0x4;
	v44 =	vshrl.u32 v17, $0x6;
	v22 =	vand.u32 $0x3FF0, v22  }
0x1f7: {  	v16 =	vld [tilespmem:s18+$0x6430];
	v9 =	vand.u32 $0x3FF0, v9;
	v63 =	vand.u32 $0x3FF0, v23;
	v62 =	vadd.s32 v3, v22  }
0x1f8: {  	v15 =	vld [tilespmem:s18+$0x6420];
	v18 =	vadd.s32 v3, v9;
	v9 =	vand.u32 $0x3FF0, v60;
	v22 =	vadd.s32 v3, v63  }
0x1f9: {  	v47 =	vshll.u32 v8, $0x4;
	v1 =	vand.u32 $0x3FF0, v1;
	v20 =	vadd.s32 v3, v9;
	v9 =	vld [tilespmem:s18+$0x6460]  }
0x1fa: {  	v46 =	vshrl.u32 v17, $0x10;
	v17 =	vand.u32 $0x3FF0, v47;
	v1 =	vadd.s32 v3, v1;
	[tilespmem:v5+s11+$0x0] =	vst.idx.add.f32.msk $0xffff, v2  }
0x1fb: {  	v25 =	vshrl.u32 v14, $0x6;
	v17 =	vadd.s32 v3, v17;
	v5 =	vshrl.u32 v6, $0x6;
	v6 =	vld [tilespmem:s18+$0x6450]  }
0x1fc: {  	v14 =	vshrl.u32 v14, $0x10;
	v28 =	vshll.u32 v10, $0x4;
	v31 =	vshll.u32 v16, $0x4;
	[tilespmem:v62+s11+$0x0] =	vst.idx.add.f32.msk $0xffff, v2  }
0x1fd: {  	v40 =	vshrl.u32 v16, $0x6;
	v16 =	vshrl.u32 v16, $0x10;
	[tilespmem:v22+s11+$0x0] =	vst.idx.add.f32.msk $0xffff, v2;
	v19 =	vand.u32 $0x3FF0, v5  }
0x1fe: {  	v49 =	vshrl.u32 v8, $0x6;
	v21 =	vand.u32 $0x3FF0, v61;
	[tilespmem:v18+s11+$0x0] =	vst.idx.add.f32.msk $0xffff, v2;
	v19 =	vadd.s32 v3, v19  }
0x1ff: {  	v23 =	vand.u32 $0x3FF0, v25;
	v21 =	vadd.s32 v3, v21;
	[tilespmem:v1+s11+$0x0] =	vst.idx.add.f32.msk $0xffff, v2;
	v1 =	vand.u32 $0x3FF0, v24  }
0x200: {  	v14 =	vand.u32 $0x3FF0, v14;
	v16 =	vand.u32 $0x3FF0, v16;
	[tilespmem:v17+s11+$0x0] =	vst.idx.add.f32.msk $0xffff, v2;
	v1 =	vadd.s32 v3, v1  }
0x201: {  	v27 =	vadd.s32 v3, v23;
	v45 =	vadd.s32 v3, v16;
	v16 =	vand.u32 $0x3FF0, v46;
	v5 =	vld [tilespmem:s18+$0x6470]  }
0x202: {  	v14 =	vadd.s32 v3, v14;
	v48 =	vadd.s32 v3, v16;
	v16 =	vand.u32 $0x3FF0, v49;
	[tilespmem:v20+s11+$0x0] =	vst.idx.add.f32.msk $0xffff, v2  }
0x203: {  	v30 =	vshrl.u32 v13, $0x6;
	v29 =	vand.u32 $0x3FF0, v28;
	v52 =	vadd.s32 v3, v16;
	[tilespmem:v19+s11+$0x0] =	vst.idx.add.f32.msk $0xffff, v2  }
0x204: {  	v13 =	vshrl.u32 v13, $0x10;
	v18 =	vadd.s32 v3, v29;
	[tilespmem:v21+s11+$0x0] =	vst.idx.add.f32.msk $0xffff, v2;
	v21 =	vand.u32 $0x3FF0, v30  }
0x205: {  	v32 =	vshll.u32 v12, $0x4;
	[tilespmem:v1+s11+$0x0] =	vst.idx.add.f32.msk $0xffff, v2;
	v1 =	vand.u32 $0x3FF0, v13;
	v21 =	vadd.s32 v3, v21  }
0x206: {  	v8 =	vshrl.u32 v8, $0x10;
	v33 =	vand.u32 $0x3FF0, v32;
	[tilespmem:v27+s11+$0x0] =	vst.idx.add.f32.msk $0xffff, v2;
	v1 =	vadd.s32 v3, v1  }
0x207: {  	v34 =	vshrl.u32 v12, $0x6;
	v8 =	vand.u32 $0x3FF0, v8;
	[tilespmem:v14+s11+$0x0] =	vst.idx.add.f32.msk $0xffff, v2;
	v14 =	vadd.s32 v3, v33  }
0x208: {  	v35 =	vand.u32 $0x3FF0, v34;
	v8 =	vadd.s32 v3, v8;
	[tilespmem:v52+s11+$0x0] =	vst.idx.add.f32.msk $0xffff, v2  }
0x209: {  	v38 =	vshll.u32 v15, $0x4;
	v37 =	vadd.s32 v3, v35;
	[tilespmem:v18+s11+$0x0] =	vst.idx.add.f32.msk $0xffff, v2;
	v13 =	vand.u32 $0x3FF0, v31  }
0x20a: {  	v26 =	vshrl.u32 v11, $0x6;
	v18 =	vand.u32 $0x3FF0, v38;
	v13 =	vadd.s32 v3, v13;
	[tilespmem:v21+s11+$0x0] =	vst.idx.add.f32.msk $0xffff, v2  }
0x20b: {  	v11 =	vshrl.u32 v11, $0x10;
	v19 =	vand.u32 $0x3FF0, v26;
	[tilespmem:v1+s11+$0x0] =	vst.idx.add.f32.msk $0xffff, v2;
	v1 =	vadd.s32 v3, v18  }
0x20c: {  	v53 =	vshll.u32 v5, $0x4;
	[tilespmem:v14+s11+$0x0] =	vst.idx.add.f32.msk $0xffff, v2;
	v14 =	vand.u32 $0x3FF0, v42;
	v19 =	vadd.s32 v3, v19  }
0x20d: {  	v50 =	vshrl.u32 v15, $0x6;
	[tilespmem:v8+s11+$0x0] =	vst.idx.add.f32.msk $0xffff, v2;
	v55 =	vand.u32 $0x3FF0, v53;
	v14 =	vadd.s32 v3, v14  }
0x20e: {  	v11 =	vand.u32 $0x3FF0, v11;
	v54 =	vshrl.u32 v5, $0x6;
	[tilespmem:v37+s11+$0x0] =	vst.idx.add.f32.msk $0xffff, v2;
	v58 =	vadd.s32 v3, v55  }
0x20f: {  	v56 =	vshrl.u32 v15, $0x10;
	v11 =	vadd.s32 v3, v11;
	v57 =	vand.u32 $0x3FF0, v54;
	[tilespmem:v13+s11+$0x0] =	vst.idx.add.f32.msk $0xffff, v2  }
0x210: {  	v15 =	vadd.s32 v3, v57;
	v13 =	vand.u32 $0x3FF0, v44;
	[tilespmem:v1+s11+$0x0] =	vst.idx.add.f32.msk $0xffff, v2;
	v1 =	vshll.u32 v6, $0x4  }
0x211: {  	[tilespmem:v19+s11+$0x0] =	vst.idx.add.f32.msk $0xffff, v2;
	v13 =	vadd.s32 v3, v13;
	v1 =	vand.u32 $0x3FF0, v1  }
0x212: {  	v41 =	vand.u32 $0x3FF0, v40;
	[tilespmem:v14+s11+$0x0] =	vst.idx.add.f32.msk $0xffff, v2;
	v1 =	vadd.s32 v3, v1  }
0x213: {  	v12 =	vshrl.u32 v12, $0x10;
	v43 =	vadd.s32 v3, v41;
	[tilespmem:v58+s11+$0x0] =	vst.idx.add.f32.msk $0xffff, v2  }
0x214: {  	v39 =	vshrl.u32 v10, $0x6;
	v36 =	vand.u32 $0x3FF0, v12;
	[tilespmem:v11+s11+$0x0] =	vst.idx.add.f32.msk $0xffff, v2  }
0x215: {  	v10 =	vshrl.u32 v10, $0x10;
	v19 =	vand.u32 $0x3FF0, v39;
	v11 =	vadd.s32 v3, v36;
	[tilespmem:v15+s11+$0x0] =	vst.idx.add.f32.msk $0xffff, v2  }
0x216: {  	v59 =	vshll.u32 v7, $0x4;
	v10 =	vand.u32 $0x3FF0, v10;
	v19 =	vadd.s32 v3, v19;
	[tilespmem:v13+s11+$0x0] =	vst.idx.add.f32.msk $0xffff, v2  }
0x217: {  	v10 =	vadd.s32 v3, v10;
	v13 =	vand.u32 $0x3FF0, v59;
	[tilespmem:v1+s11+$0x0] =	vst.idx.add.f32.msk $0xffff, v2;
	v1 =	vshrl.u32 v7, $0x6  }
0x218: {  	[tilespmem:v43+s11+$0x0] =	vst.idx.add.f32.msk $0xffff, v2;
	v13 =	vadd.s32 v3, v13;
	v1 =	vand.u32 $0x3FF0, v1  }
0x219: {  	[tilespmem:v45+s11+$0x0] =	vst.idx.add.f32.msk $0xffff, v2;
	v1 =	vadd.s32 v3, v1  }
0x21a: {  	v51 =	vand.u32 $0x3FF0, v50;
	v60 =	vshll.u32 v4, $0x4;
	[tilespmem:v11+s11+$0x0] =	vst.idx.add.f32.msk $0xffff, v2  }
0x21b: {  	v61 =	vshll.u32 v9, $0x4;
	v14 =	vand.u32 $0x3FF0, v56;
	[tilespmem:v19+s11+$0x0] =	vst.idx.add.f32.msk $0xffff, v2;
	v11 =	vadd.s32 v3, v51  }
0x21c: {  	v14 =	vadd.s32 v3, v14;
	[tilespmem:v10+s11+$0x0] =	vst.idx.add.f32.msk $0xffff, v2;
	v10 =	vand.u32 $0x3FF0, v61;
	v7 =	vshrl.u32 v7, $0x10  }
0x21d: {  	v63 =	vshrl.u32 v6, $0x6;
	v10 =	vadd.s32 v3, v10;
	[tilespmem:v13+s11+$0x0] =	vst.idx.add.f32.msk $0xffff, v2;
	v7 =	vand.u32 $0x3FF0, v7  }
0x21e: {  	v6 =	vshrl.u32 v6, $0x10;
	v7 =	vadd.s32 v3, v7;
	[tilespmem:v1+s11+$0x0] =	vst.idx.add.f32.msk $0xffff, v2;
	v1 =	vand.u32 $0x3FF0, v63  }
0x21f: {  	v62 =	vshrl.u32 v9, $0x6;
	[tilespmem:v48+s11+$0x0] =	vst.idx.add.f32.msk $0xffff, v2;
	v6 =	vand.u32 $0x3FF0, v6;
	v1 =	vadd.s32 v3, v1  }
0x220: {  	v9 =	vshrl.u32 v9, $0x10;
	v12 =	vand.u32 $0x3FF0, v62;
	v6 =	vadd.s32 v3, v6;
	[tilespmem:v11+s11+$0x0] =	vst.idx.add.f32.msk $0xffff, v2  }
0x221: {  	v9 =	vand.u32 $0x3FF0, v9;
	v12 =	vadd.s32 v3, v12;
	v5 =	vshrl.u32 v5, $0x10;
	[tilespmem:v14+s11+$0x0] =	vst.idx.add.f32.msk $0xffff, v2  }
0x222: {  	v9 =	vadd.s32 v3, v9;
	v5 =	vand.u32 $0x3FF0, v5;
	v11 =	vand.u32 $0x3FF0, v60;
	[tilespmem:v10+s11+$0x0] =	vst.idx.add.f32.msk $0xffff, v2  }
0x223: {  	v11 =	vadd.s32 v3, v11;
	[tilespmem:v7+s11+$0x0] =	vst.idx.add.f32.msk $0xffff, v2;
	v7 =	vadd.s32 v3, v5;
	v5 =	vshrl.u32 v4, $0x6  }
0x224: {  	v4 =	vshrl.u32 v4, $0x10;
	[tilespmem:v1+s11+$0x0] =	vst.idx.add.f32.msk $0xffff, v2;
	v1 =	vand.u32 $0x3FF0, v5  }
0x225: {  	v4 =	vand.u32 $0x3FF0, v4;
	[tilespmem:v6+s11+$0x0] =	vst.idx.add.f32.msk $0xffff, v2;
	v6 =	vadd.s32 v3, v1  }
0x226: {  	[tilespmem:v12+s11+$0x0] =	vst.idx.add.f32.msk $0xffff, v2;
	v5 =	vadd.s32 v3, v4  }
0x227: {  	[tilespmem:v9+s11+$0x0] =	vst.idx.add.f32.msk $0xffff, v2  }
0x228: {  	[tilespmem:v11+s11+$0x0] =	vst.idx.add.f32.msk $0xffff, v2  }
0x229: {  	s19 =	simm.s32 $0x0;
	s18 =	simm.s32 $0x0;
	[tilespmem:v7+s11+$0x0] =	vst.idx.add.f32.msk $0xffff, v2  }
.LBB2_10:
0x22a: {  	s18 =	sadd.s32 $0x10, s18;
	[tilespmem:v6+s11+$0x0] =	vst.idx.add.f32.msk $0xffff, v2;
	s19 =	sadd.s32 $0x800, s19  }
0x22b: {  	s20 =	sshll.u32 s18, $0x4;
	p0 =	slt.u32 s18, $0x4F0;
	[tilespmem:v5+s11+$0x0] =	vst.idx.add.f32.msk $0xffff, v2  }
0x22c: {  	s21 =	sand.u32 $0x800, s19;
	s22 =	sshll.u32 s18, $0x2;
	s20 =	sand.u32 $0x7000, s20  }
0x22d: {  	s22 =	sand.u32 $0x380, s22;
	s20 =	sor.u32 s21, s20  }
0x22e: {  	s20 =	sor.u32 s22, s20  }
0x22f: {  	v1 =	vld [tilespmem:s20+$0x6000]  }
0x230: {  	v7 =	vld [tilespmem:s20+$0x6010]  }
0x231: {  	v14 =	vld [tilespmem:s20+$0x6020]  }
0x232: {  	v15 =	vld [tilespmem:s20+$0x6030]  }
0x233: {  	v16 =	vld [tilespmem:s20+$0x6040]  }
0x234: {  	v6 =	vshll.u32 v1, $0x4;
	v4 =	vshrl.u32 v1, $0x6;
	v5 =	vshrl.u32 v1, $0x10;
	v1 =	vld [tilespmem:s20+$0x6050]  }
0x235: {  	v8 =	vshll.u32 v7, $0x4;
	v9 =	vshrl.u32 v7, $0x6;
	v7 =	vshrl.u32 v7, $0x10;
	v10 =	vld [tilespmem:s20+$0x6060]  }
0x236: {  	v8 =	vand.u32 $0x3FF0, v8;
	v9 =	vand.u32 $0x3FF0, v9;
	v7 =	vand.u32 $0x3FF0, v7;
	v17 =	vld [tilespmem:s20+$0x6070]  }
0x237: {  	v11 =	vshll.u32 v14, $0x4;
	v8 =	vadd.s32 v3, v8;
	v12 =	vshrl.u32 v15, $0x10;
	v13 =	vld [tilespmem:s20+$0x6400]  }
0x238: {  	v18 =	vadd.s32 v3, v7;
	v7 =	vand.u32 $0x3FF0, v12;
	v19 =	vshll.u32 v16, $0x4;
	v12 =	vld [tilespmem:s20+$0x6410]  }
0x239: {  	v20 =	vshrl.u32 v14, $0x6;
	v21 =	vshll.u32 v15, $0x4;
	v22 =	vadd.s32 v3, v7;
	v23 =	vld [tilespmem:s20+$0x6420]  }
0x23a: {  	v24 =	vshll.u32 v1, $0x4;
	v25 =	vshll.u32 v10, $0x4;
	v7 =	vshrl.u32 v10, $0x10;
	v26 =	vld [tilespmem:s20+$0x6430]  }
0x23b: {  	v27 =	vand.u32 $0x3FF0, v11;
	v28 =	vshrl.u32 v10, $0x6;
	v7 =	vand.u32 $0x3FF0, v7;
	v29 =	vld [tilespmem:s20+$0x6440]  }
0x23c: {  	v9 =	vadd.s32 v3, v9;
	[tilespmem:v8+s11+$0x0] =	vst.idx.add.f32.msk $0xffff, v2;
	v8 =	vshll.u32 v13, $0x4;
	v10 =	vshrl.u32 v13, $0x6  }
0x23d: {  	v8 =	vand.u32 $0x3FF0, v8;
	v11 =	vand.u32 $0x3FF0, v10;
	v30 =	vshrl.u32 v12, $0x10;
	v10 =	vld [tilespmem:s20+$0x6470]  }
0x23e: {  	v31 =	vshrl.u32 v17, $0x6;
	v33 =	vshll.u32 v12, $0x4;
	v32 =	vadd.s32 v3, v8  }
0x23f: {  	v31 =	vand.u32 $0x3FF0, v31;
	v13 =	vshrl.u32 v13, $0x10;
	v34 =	vadd.s32 v3, v11;
	v11 =	vld [tilespmem:s20+$0x6450]  }
0x240: {  	v7 =	vadd.s32 v3, v7;
	v8 =	vand.u32 $0x3FF0, v28;
	v28 =	vand.u32 $0x3FF0, v13;
	v35 =	vld [tilespmem:s20+$0x6460]  }
0x241: {  	v13 =	vand.u32 $0x3FF0, v25;
	v25 =	vadd.s32 v3, v28;
	v28 =	vshrl.u32 v12, $0x6;
	[tilespmem:v9+s11+$0x0] =	vst.idx.add.f32.msk $0xffff, v2  }
0x242: {  	v9 =	vshll.u32 v17, $0x4;
	[tilespmem:v18+s11+$0x0] =	vst.idx.add.f32.msk $0xffff, v2;
	v18 =	vand.u32 $0x3FF0, v30;
	v12 =	vshrl.u32 v10, $0x6  }
0x243: {  	v21 =	vand.u32 $0x3FF0, v21;
	v9 =	vand.u32 $0x3FF0, v9;
	v30 =	vand.u32 $0x3FF0, v33;
	[tilespmem:v32+s11+$0x0] =	vst.idx.add.f32.msk $0xffff, v2  }
0x244: {  	v17 =	vshrl.u32 v17, $0x10;
	v32 =	vadd.s32 v3, v9;
	v9 =	vadd.s32 v3, v18  }
0x245: {  	v14 =	vshrl.u32 v14, $0x10;
	v17 =	vand.u32 $0x3FF0, v17;
	v18 =	vand.u32 $0x3FF0, v24;
	[tilespmem:v34+s11+$0x0] =	vst.idx.add.f32.msk $0xffff, v2  }
0x246: {  	v15 =	vshrl.u32 v15, $0x6;
	v21 =	vadd.s32 v3, v21;
	v18 =	vadd.s32 v3, v18;
	[tilespmem:v25+s11+$0x0] =	vst.idx.add.f32.msk $0xffff, v2  }
0x247: {  	v15 =	vand.u32 $0x3FF0, v15;
	v24 =	vshrl.u32 v1, $0x6;
	v1 =	vshrl.u32 v1, $0x10  }
0x248: {  	v19 =	vand.u32 $0x3FF0, v19;
	v1 =	vand.u32 $0x3FF0, v1;
	v25 =	vadd.s32 v3, v31  }
0x249: {  	v19 =	vadd.s32 v3, v19;
	v17 =	vadd.s32 v3, v17;
	v24 =	vand.u32 $0x3FF0, v24  }
0x24a: {  	v15 =	vadd.s32 v3, v15;
	v31 =	vshrl.u32 v16, $0x6;
	v16 =	vshrl.u32 v16, $0x10;
	[tilespmem:v32+s11+$0x0] =	vst.idx.add.f32.msk $0xffff, v2  }
0x24b: {  	v27 =	vadd.s32 v3, v27;
	v31 =	vand.u32 $0x3FF0, v31;
	v16 =	vand.u32 $0x3FF0, v16;
	[tilespmem:v18+s11+$0x0] =	vst.idx.add.f32.msk $0xffff, v2  }
0x24c: {  	v14 =	vand.u32 $0x3FF0, v14;
	v18 =	vand.u32 $0x3FF0, v20;
	v20 =	vshll.u32 v26, $0x4;
	[tilespmem:v21+s11+$0x0] =	vst.idx.add.f32.msk $0xffff, v2  }
0x24d: {  	v21 =	vadd.s32 v3, v24;
	v20 =	vand.u32 $0x3FF0, v20;
	v24 =	vshrl.u32 v26, $0x6;
	[tilespmem:v25+s11+$0x0] =	vst.idx.add.f32.msk $0xffff, v2  }
0x24e: {  	v1 =	vadd.s32 v3, v1;
	[tilespmem:v17+s11+$0x0] =	vst.idx.add.f32.msk $0xffff, v2;
	v17 =	vadd.s32 v3, v20;
	v20 =	vand.u32 $0x3FF0, v24  }
0x24f: {  	v25 =	vshrl.u32 v29, $0x6;
	v24 =	vshll.u32 v29, $0x4;
	[tilespmem:v15+s11+$0x0] =	vst.idx.add.f32.msk $0xffff, v2;
	v15 =	vshrl.u32 v26, $0x10  }
0x250: {  	[tilespmem:v22+s11+$0x0] =	vst.idx.add.f32.msk $0xffff, v2;
	v15 =	vand.u32 $0x3FF0, v15;
	v22 =	vand.u32 $0x3FF0, v24;
	v24 =	vand.u32 $0x3FF0, v25  }
0x251: {  	v26 =	vshll.u32 v23, $0x4;
	v25 =	vadd.s32 v3, v31;
	[tilespmem:v27+s11+$0x0] =	vst.idx.add.f32.msk $0xffff, v2;
	v22 =	vadd.s32 v3, v22  }
0x252: {  	v16 =	vadd.s32 v3, v16;
	[tilespmem:v21+s11+$0x0] =	vst.idx.add.f32.msk $0xffff, v2;
	v21 =	vand.u32 $0x3FF0, v26;
	v26 =	vshrl.u32 v29, $0x10  }
0x253: {  	[tilespmem:v1+s11+$0x0] =	vst.idx.add.f32.msk $0xffff, v2;
	v1 =	vadd.s32 v3, v21;
	v21 =	vshrl.u32 v23, $0x6;
	v23 =	vshrl.u32 v23, $0x10  }
0x254: {  	v18 =	vadd.s32 v3, v18;
	v21 =	vand.u32 $0x3FF0, v21;
	v23 =	vand.u32 $0x3FF0, v23;
	[tilespmem:v17+s11+$0x0] =	vst.idx.add.f32.msk $0xffff, v2  }
0x255: {  	v14 =	vadd.s32 v3, v14;
	v17 =	vand.u32 $0x3FF0, v28;
	[tilespmem:v19+s11+$0x0] =	vst.idx.add.f32.msk $0xffff, v2;
	v19 =	vshll.u32 v35, $0x4  }
0x256: {  	v20 =	vadd.s32 v3, v20;
	v17 =	vadd.s32 v3, v17;
	[tilespmem:v25+s11+$0x0] =	vst.idx.add.f32.msk $0xffff, v2;
	v19 =	vand.u32 $0x3FF0, v19  }
0x257: {  	v15 =	vadd.s32 v3, v15;
	v25 =	vshrl.u32 v35, $0x10;
	[tilespmem:v16+s11+$0x0] =	vst.idx.add.f32.msk $0xffff, v2;
	v16 =	vshrl.u32 v35, $0x6  }
0x258: {  	v25 =	vand.u32 $0x3FF0, v25;
	[tilespmem:v1+s11+$0x0] =	vst.idx.add.f32.msk $0xffff, v2;
	v1 =	vshll.u32 v11, $0x4;
	v16 =	vand.u32 $0x3FF0, v16  }
0x259: {  	[tilespmem:v18+s11+$0x0] =	vst.idx.add.f32.msk $0xffff, v2;
	v18 =	vadd.s32 v3, v24;
	v24 =	vand.u32 $0x3FF0, v26;
	v1 =	vand.u32 $0x3FF0, v1  }
0x25a: {  	[tilespmem:v14+s11+$0x0] =	vst.idx.add.f32.msk $0xffff, v2;
	v14 =	vadd.s32 v3, v24;
	v1 =	vadd.s32 v3, v1;
	v24 =	vshrl.u32 v11, $0x6  }
0x25b: {  	v26 =	vadd.s32 v3, v30;
	v11 =	vshrl.u32 v11, $0x10;
	[tilespmem:v20+s11+$0x0] =	vst.idx.add.f32.msk $0xffff, v2;
	v20 =	vand.u32 $0x3FF0, v24  }
0x25c: {  	v13 =	vadd.s32 v3, v13;
	v21 =	vadd.s32 v3, v21;
	v11 =	vand.u32 $0x3FF0, v11;
	[tilespmem:v15+s11+$0x0] =	vst.idx.add.f32.msk $0xffff, v2  }
0x25d: {  	v12 =	vand.u32 $0x3FF0, v12;
	v15 =	vadd.s32 v3, v23;
	[tilespmem:v22+s11+$0x0] =	vst.idx.add.f32.msk $0xffff, v2;
	v22 =	vshll.u32 v10, $0x4  }
0x25e: {  	v12 =	vadd.s32 v3, v12;
	v10 =	vshrl.u32 v10, $0x10;
	[tilespmem:v18+s11+$0x0] =	vst.idx.add.f32.msk $0xffff, v2;
	v18 =	vand.u32 $0x3FF0, v22  }
0x25f: {  	v6 =	vand.u32 $0x3FF0, v6;
	v10 =	vand.u32 $0x3FF0, v10;
	[tilespmem:v14+s11+$0x0] =	vst.idx.add.f32.msk $0xffff, v2;
	v14 =	vadd.s32 v3, v18  }
0x260: {  	v4 =	vand.u32 $0x3FF0, v4;
	v5 =	vand.u32 $0x3FF0, v5;
	v6 =	vadd.s32 v3, v6;
	[tilespmem:v1+s11+$0x0] =	vst.idx.add.f32.msk $0xffff, v2  }
0x261: {  	v1 =	vadd.s32 v3, v19;
	[tilespmem:v26+s11+$0x0] =	vst.idx.add.f32.msk $0xffff, v2  }
0x262: {  	v16 =	vadd.s32 v3, v16;
	[tilespmem:v17+s11+$0x0] =	vst.idx.add.f32.msk $0xffff, v2  }
0x263: {  	v8 =	vadd.s32 v3, v8;
	v17 =	vadd.s32 v3, v25;
	[tilespmem:v21+s11+$0x0] =	vst.idx.add.f32.msk $0xffff, v2  }
0x264: {  	v18 =	vadd.s32 v3, v20;
	[tilespmem:v14+s11+$0x0] =	vst.idx.add.f32.msk $0xffff, v2  }
0x265: {  	v11 =	vadd.s32 v3, v11;
	[tilespmem:v12+s11+$0x0] =	vst.idx.add.f32.msk $0xffff, v2  }
0x266: {  	[tilespmem:v15+s11+$0x0] =	vst.idx.add.f32.msk $0xffff, v2  }
0x267: {  	[tilespmem:v13+s11+$0x0] =	vst.idx.add.f32.msk $0xffff, v2  }
0x268: {  	[tilespmem:v8+s11+$0x0] =	vst.idx.add.f32.msk $0xffff, v2  }
0x269: {  	[tilespmem:v7+s11+$0x0] =	vst.idx.add.f32.msk $0xffff, v2  }
0x26a: {  	[tilespmem:v9+s11+$0x0] =	vst.idx.add.f32.msk $0xffff, v2  }
0x26b: {  	[tilespmem:v6+s11+$0x0] =	vst.idx.add.f32.msk $0xffff, v2  }
0x26c: {  	v6 =	vadd.s32 v3, v4;
	[tilespmem:v1+s11+$0x0] =	vst.idx.add.f32.msk $0xffff, v2;
	v1 =	vadd.s32 v3, v10  }
.Ltmp4:
0x26d: {  	v5 =	vadd.s32 v3, v5;
	[tilespmem:v16+s11+$0x0] =	vst.idx.add.f32.msk $0xffff, v2;
	(pc) =	sbr.rel @p0 .LBB2_10-.Ltmp4, $4  }
0x26e: {  	[tilespmem:v17+s11+$0x0] =	vst.idx.add.f32.msk $0xffff, v2  }
0x26f: {  	[tilespmem:v18+s11+$0x0] =	vst.idx.add.f32.msk $0xffff, v2  }
0x270: {  	[tilespmem:v11+s11+$0x0] =	vst.idx.add.f32.msk $0xffff, v2  }
0x271: {  	[tilespmem:v1+s11+$0x0] =	vst.idx.add.f32.msk $0xffff, v2  }
0x272: {  	v1 =	vmov s17;
	v4 =	vmul.u32 $0x10, v0  }
0x273: {  	v1 =	vshll.u32 v1, $0x4  }
0x274: {  	v1 =	vor.u32 v4, v1;
	_ =	sdelay $0x1  }
0x275: {  	v7 =	vor.u32 $0x1, v1  }
0x276: {  	[tilespmem:v6+s11+$0x0] =	vst.idx.add.f32.msk $0xffff, v2  }
0x277: {  	[tilespmem:v5+s11+$0x0] =	vst.idx.add.f32.msk $0xffff, v2;
	v5 =	vor.u32 $0x2, v1  }
0x278: {  	v6 =	vld.idx.msk [tilespmem:v1+s11+$0x0], $0xffff  }
0x279: {  	v8 =	vor.u32 $0x3, v1  }
0x27a: {  	v7 =	vld.idx.msk [tilespmem:v7+s11+$0x0], $0xffff  }
0x27b: {  	v9 =	vor.u32 $0x4, v1  }
0x27c: {  	v5 =	vld.idx.msk [tilespmem:v5+s11+$0x0], $0xffff  }
0x27d: {  	v10 =	vor.u32 $0x5, v1;
	v6 =	vadd.f32 $0.0e+00, v6  }
0x27e: {  	v8 =	vld.idx.msk [tilespmem:v8+s11+$0x0], $0xffff  }
0x27f: {  	v11 =	vor.u32 $0x6, v1;
	v6 =	vadd.f32 v7, v6  }
0x280: {  	v7 =	vld.idx.msk [tilespmem:v9+s11+$0x0], $0xffff  }
0x281: {  	v9 =	vor.u32 $0x7, v1;
	v5 =	vadd.f32 v5, v6  }
0x282: {  	v6 =	vld.idx.msk [tilespmem:v10+s11+$0x0], $0xffff  }
0x283: {  	v10 =	vor.u32 $0x8, v1;
	v5 =	vadd.f32 v8, v5  }
0x284: {  	v8 =	vld.idx.msk [tilespmem:v11+s11+$0x0], $0xffff  }
0x285: {  	v11 =	vor.u32 $0x9, v1;
	v5 =	vadd.f32 v7, v5  }
0x286: {  	v7 =	vld.idx.msk [tilespmem:v9+s11+$0x0], $0xffff  }
0x287: {  	v9 =	vor.u32 $0xA, v1;
	v5 =	vadd.f32 v6, v5  }
0x288: {  	v6 =	vld.idx.msk [tilespmem:v10+s11+$0x0], $0xffff  }
0x289: {  	v10 =	vor.u32 $0xB, v1;
	v5 =	vadd.f32 v8, v5  }
0x28a: {  	v8 =	vld.idx.msk [tilespmem:v11+s11+$0x0], $0xffff  }
0x28b: {  	v11 =	vor.u32 $0xC, v1;
	v5 =	vadd.f32 v7, v5  }
0x28c: {  	v7 =	vld.idx.msk [tilespmem:v9+s11+$0x0], $0xffff  }
0x28d: {  	v9 =	vor.u32 $0xD, v1;
	v5 =	vadd.f32 v6, v5  }
0x28e: {  	v6 =	vld.idx.msk [tilespmem:v10+s11+$0x0], $0xffff  }
0x28f: {  	v10 =	vor.u32 $0xE, v1;
	v5 =	vadd.f32 v8, v5  }
0x290: {  	v8 =	vld.idx.msk [tilespmem:v11+s11+$0x0], $0xffff  }
0x291: {  	v1 =	vor.u32 $0xF, v1;
	v5 =	vadd.f32 v7, v5  }
0x292: {  	v7 =	vld.idx.msk [tilespmem:v9+s11+$0x0], $0xffff  }
0x293: {  	v5 =	vadd.f32 v6, v5  }
0x294: {  	v6 =	vld.idx.msk [tilespmem:v10+s11+$0x0], $0xffff  }
0x295: {  	v5 =	vadd.f32 v8, v5  }
0x296: {  	s31 =	simm.s32 $0x10;
	v1 =	vld.idx.msk [tilespmem:v1+s11+$0x0], $0xffff  }
0x297: {  	v8 =	vmov s31;
	v5 =	vadd.f32 v7, v5  }
0x298: {  	v7 =	vshll.u32 v8, $0x4  }
0x299: {  	v7 =	vor.u32 v4, v7;
	v5 =	vadd.f32 v6, v5;
	_ =	sdelay $0x1  }
0x29a: {  	v6 =	vor.u32 $0x1, v7;
	v1 =	vadd.f32 v1, v5  }
0x29b: {  	s17 =	simm.s32 $0x10200  }
0x29c: {  	v5 =	vor.u32 $0x2, v7;
	[tilespmem:s17+$0x0] =	vst v1  }
0x29d: {  	v1 =	vld.idx.msk [tilespmem:v7+s11+$0x0], $0xffff  }
0x29e: {  	v8 =	vor.u32 $0x3, v7  }
0x29f: {  	v6 =	vld.idx.msk [tilespmem:v6+s11+$0x0], $0xffff  }
0x2a0: {  	v9 =	vor.u32 $0x4, v7  }
0x2a1: {  	v5 =	vld.idx.msk [tilespmem:v5+s11+$0x0], $0xffff  }
0x2a2: {  	v10 =	vor.u32 $0x5, v7;
	v1 =	vadd.f32 $0.0e+00, v1  }
0x2a3: {  	v8 =	vld.idx.msk [tilespmem:v8+s11+$0x0], $0xffff  }
0x2a4: {  	v11 =	vor.u32 $0x6, v7;
	v1 =	vadd.f32 v6, v1  }
0x2a5: {  	v6 =	vld.idx.msk [tilespmem:v9+s11+$0x0], $0xffff  }
0x2a6: {  	v9 =	vor.u32 $0x7, v7;
	v1 =	vadd.f32 v5, v1  }
0x2a7: {  	v5 =	vld.idx.msk [tilespmem:v10+s11+$0x0], $0xffff  }
0x2a8: {  	v10 =	vor.u32 $0x8, v7;
	v1 =	vadd.f32 v8, v1  }
0x2a9: {  	v8 =	vld.idx.msk [tilespmem:v11+s11+$0x0], $0xffff  }
0x2aa: {  	v11 =	vor.u32 $0x9, v7;
	v1 =	vadd.f32 v6, v1  }
0x2ab: {  	v6 =	vld.idx.msk [tilespmem:v9+s11+$0x0], $0xffff  }
0x2ac: {  	v9 =	vor.u32 $0xA, v7;
	v1 =	vadd.f32 v5, v1  }
0x2ad: {  	v5 =	vld.idx.msk [tilespmem:v10+s11+$0x0], $0xffff  }
0x2ae: {  	v10 =	vor.u32 $0xB, v7;
	v1 =	vadd.f32 v8, v1  }
0x2af: {  	v8 =	vld.idx.msk [tilespmem:v11+s11+$0x0], $0xffff  }
0x2b0: {  	v11 =	vor.u32 $0xC, v7;
	v1 =	vadd.f32 v6, v1  }
0x2b1: {  	v6 =	vld.idx.msk [tilespmem:v9+s11+$0x0], $0xffff  }
0x2b2: {  	v9 =	vor.u32 $0xD, v7;
	v1 =	vadd.f32 v5, v1  }
0x2b3: {  	v5 =	vld.idx.msk [tilespmem:v10+s11+$0x0], $0xffff  }
0x2b4: {  	v10 =	vor.u32 $0xE, v7;
	v1 =	vadd.f32 v8, v1  }
0x2b5: {  	v8 =	vld.idx.msk [tilespmem:v11+s11+$0x0], $0xffff  }
0x2b6: {  	v7 =	vor.u32 $0xF, v7;
	v1 =	vadd.f32 v6, v1  }
0x2b7: {  	v9 =	vld.idx.msk [tilespmem:v9+s11+$0x0], $0xffff  }
0x2b8: {  	v1 =	vadd.f32 v5, v1  }
0x2b9: {  	v6 =	vld.idx.msk [tilespmem:v10+s11+$0x0], $0xffff  }
0x2ba: {  	v1 =	vadd.f32 v8, v1  }
0x2bb: {  	s18 =	simm.s32 $0x20;
	v5 =	vld.idx.msk [tilespmem:v7+s11+$0x0], $0xffff  }
0x2bc: {  	v8 =	vmov s18;
	s18 =	simm.s32 $0x30;
	v7 =	vadd.f32 v9, v1  }
.LBB2_12:
0x2bd: {  	p0 =	sne.s32 s18, $0x200;
	v1 =	vshll.u32 v8, $0x4  }
0x2be: {  	v1 =	vor.u32 v4, v1;
	v6 =	vadd.f32 v6, v7;
	_ =	sdelay $0x1  }
0x2bf: {  	v7 =	vor.u32 $0x1, v1;
	v5 =	vadd.f32 v5, v6  }
0x2c0: {  	s17 =	sadd.s32 $0x10, s17  }
0x2c1: {  	v6 =	vor.u32 $0x2, v1;
	[tilespmem:s17+$0x0] =	vst v5  }
0x2c2: {  	v5 =	vld.idx.msk [tilespmem:v1+s11+$0x0], $0xffff  }
0x2c3: {  	v8 =	vor.u32 $0x3, v1  }
0x2c4: {  	v7 =	vld.idx.msk [tilespmem:v7+s11+$0x0], $0xffff  }
0x2c5: {  	v9 =	vor.u32 $0x4, v1  }
0x2c6: {  	v6 =	vld.idx.msk [tilespmem:v6+s11+$0x0], $0xffff  }
0x2c7: {  	v10 =	vor.u32 $0x5, v1  }
0x2c8: {  	v5 =	vadd.f32 $0.0e+00, v5;
	v8 =	vld.idx.msk [tilespmem:v8+s11+$0x0], $0xffff  }
0x2c9: {  	v11 =	vor.u32 $0x6, v1  }
0x2ca: {  	v5 =	vadd.f32 v7, v5;
	v7 =	vld.idx.msk [tilespmem:v9+s11+$0x0], $0xffff  }
0x2cb: {  	v9 =	vor.u32 $0x7, v1  }
0x2cc: {  	v5 =	vadd.f32 v6, v5;
	v6 =	vld.idx.msk [tilespmem:v10+s11+$0x0], $0xffff  }
0x2cd: {  	v10 =	vor.u32 $0x8, v1  }
0x2ce: {  	v5 =	vadd.f32 v8, v5;
	v8 =	vld.idx.msk [tilespmem:v11+s11+$0x0], $0xffff  }
0x2cf: {  	v11 =	vor.u32 $0x9, v1  }
0x2d0: {  	v5 =	vadd.f32 v7, v5;
	v7 =	vld.idx.msk [tilespmem:v9+s11+$0x0], $0xffff  }
0x2d1: {  	v9 =	vor.u32 $0xA, v1  }
0x2d2: {  	v5 =	vadd.f32 v6, v5;
	v6 =	vld.idx.msk [tilespmem:v10+s11+$0x0], $0xffff  }
0x2d3: {  	v10 =	vor.u32 $0xB, v1  }
0x2d4: {  	v5 =	vadd.f32 v8, v5;
	v8 =	vld.idx.msk [tilespmem:v11+s11+$0x0], $0xffff  }
0x2d5: {  	v11 =	vor.u32 $0xC, v1  }
0x2d6: {  	v5 =	vadd.f32 v7, v5;
	v7 =	vld.idx.msk [tilespmem:v9+s11+$0x0], $0xffff  }
0x2d7: {  	v9 =	vor.u32 $0xD, v1  }
0x2d8: {  	v5 =	vadd.f32 v6, v5;
	v6 =	vld.idx.msk [tilespmem:v10+s11+$0x0], $0xffff  }
0x2d9: {  	v10 =	vor.u32 $0xE, v1  }
0x2da: {  	v5 =	vadd.f32 v8, v5;
	v8 =	vld.idx.msk [tilespmem:v11+s11+$0x0], $0xffff  }
0x2db: {  	v1 =	vor.u32 $0xF, v1  }
0x2dc: {  	v5 =	vadd.f32 v7, v5;
	v7 =	vld.idx.msk [tilespmem:v9+s11+$0x0], $0xffff;
	_ =	sdelay $0x1  }
.Ltmp5:
0x2dd: {  	v5 =	vadd.f32 v6, v5;
	v6 =	vld.idx.msk [tilespmem:v10+s11+$0x0], $0xffff;
	(pc) =	sbr.rel @p0 .LBB2_12-.Ltmp5, $3  }
0x2de: {  	_ = 	snop  }
0x2df: {  	v9 =	vadd.f32 v8, v5;
	v5 =	vld.idx.msk [tilespmem:v1+s11+$0x0], $0xffff;
	_ =	sdelay $0x1  }
0x2e0: {  	v8 =	vmov s18;
	s18 =	sadd.s32 $0x10, s18;
	v7 =	vadd.f32 v7, v9  }
0x2e1: {  	v1 =	vshll.u32 v8, $0x4  }
0x2e2: {  	v1 =	vor.u32 v4, v1;
	v6 =	vadd.f32 v6, v7;
	_ =	sdelay $0x1  }
0x2e3: {  	v7 =	vor.u32 $0x1, v1;
	v5 =	vadd.f32 v5, v6  }
0x2e4: {  	s18 =	sadd.s32 $0x10, s17  }
0x2e5: {  	v6 =	vor.u32 $0x2, v1;
	[tilespmem:s18+$0x0] =	vst v5  }
0x2e6: {  	v5 =	vld.idx.msk [tilespmem:v1+s11+$0x0], $0xffff  }
0x2e7: {  	v8 =	vor.u32 $0x3, v1  }
0x2e8: {  	v7 =	vld.idx.msk [tilespmem:v7+s11+$0x0], $0xffff  }
0x2e9: {  	v9 =	vor.u32 $0x4, v1  }
0x2ea: {  	v6 =	vld.idx.msk [tilespmem:v6+s11+$0x0], $0xffff  }
0x2eb: {  	v10 =	vor.u32 $0x5, v1;
	v5 =	vadd.f32 $0.0e+00, v5  }
0x2ec: {  	v8 =	vld.idx.msk [tilespmem:v8+s11+$0x0], $0xffff  }
0x2ed: {  	v11 =	vor.u32 $0x6, v1;
	v5 =	vadd.f32 v7, v5  }
0x2ee: {  	v7 =	vld.idx.msk [tilespmem:v9+s11+$0x0], $0xffff  }
0x2ef: {  	v9 =	vor.u32 $0x7, v1;
	v5 =	vadd.f32 v6, v5  }
0x2f0: {  	v6 =	vld.idx.msk [tilespmem:v10+s11+$0x0], $0xffff  }
0x2f1: {  	v10 =	vor.u32 $0x8, v1;
	v5 =	vadd.f32 v8, v5  }
0x2f2: {  	v8 =	vld.idx.msk [tilespmem:v11+s11+$0x0], $0xffff  }
0x2f3: {  	v11 =	vor.u32 $0x9, v1;
	v5 =	vadd.f32 v7, v5  }
0x2f4: {  	v7 =	vld.idx.msk [tilespmem:v9+s11+$0x0], $0xffff  }
0x2f5: {  	v9 =	vor.u32 $0xA, v1;
	v5 =	vadd.f32 v6, v5  }
0x2f6: {  	v6 =	vld.idx.msk [tilespmem:v10+s11+$0x0], $0xffff  }
0x2f7: {  	v10 =	vor.u32 $0xB, v1;
	v5 =	vadd.f32 v8, v5  }
0x2f8: {  	v8 =	vld.idx.msk [tilespmem:v11+s11+$0x0], $0xffff  }
0x2f9: {  	v11 =	vor.u32 $0xC, v1;
	v5 =	vadd.f32 v7, v5  }
0x2fa: {  	v7 =	vld.idx.msk [tilespmem:v9+s11+$0x0], $0xffff  }
0x2fb: {  	v9 =	vor.u32 $0xD, v1;
	v5 =	vadd.f32 v6, v5  }
0x2fc: {  	v6 =	vld.idx.msk [tilespmem:v10+s11+$0x0], $0xffff  }
0x2fd: {  	v10 =	vor.u32 $0xE, v1;
	v5 =	vadd.f32 v8, v5  }
0x2fe: {  	v8 =	vld.idx.msk [tilespmem:v11+s11+$0x0], $0xffff  }
0x2ff: {  	v1 =	vor.u32 $0xF, v1;
	v5 =	vadd.f32 v7, v5  }
0x300: {  	v7 =	vld.idx.msk [tilespmem:v9+s11+$0x0], $0xffff  }
0x301: {  	v5 =	vadd.f32 v6, v5  }
0x302: {  	s17 =	simm.s32 $0x0;
	v6 =	vld.idx.msk [tilespmem:v10+s11+$0x0], $0xffff  }
0x303: {  	v5 =	vadd.f32 v8, v5;
	v8 =	vmov s17  }
0x304: {  	v1 =	vld.idx.msk [tilespmem:v1+s11+$0x0], $0xffff;
	v8 =	vshll.u32 v8, $0x4  }
0x305: {  	v5 =	vadd.f32 v7, v5;
	v7 =	vor.u32 v4, v8  }
0x306: {  	v8 =	vand.u32 $0x3FF0, v7  }
0x307: {  	v5 =	vadd.f32 v6, v5;
	v6 =	vadd.s32 $0x2100, v8;
	_ =	sdelay $0x1  }
0x308: {  	v1 =	vadd.f32 v1, v5;
	v5 =	vadd.s32 $0x2101, v7  }
0x309: {  	s18 =	sadd.s32 $0x10, s18  }
0x30a: {  	[tilespmem:s18+$0x0] =	vst v1;
	v1 =	vadd.s32 $0x2102, v7  }
0x30b: {  	v6 =	vld.idx.msk [tilespmem:v6+s11+$0x0], $0xffff  }
0x30c: {  	v8 =	vadd.s32 $0x2103, v7  }
0x30d: {  	v5 =	vld.idx.msk [tilespmem:v5+s11+$0x0], $0xffff  }
0x30e: {  	v9 =	vadd.s32 $0x2104, v7  }
0x30f: {  	v1 =	vld.idx.msk [tilespmem:v1+s11+$0x0], $0xffff  }
0x310: {  	v10 =	vadd.s32 $0x2105, v7;
	v6 =	vadd.f32 $0.0e+00, v6  }
0x311: {  	v8 =	vld.idx.msk [tilespmem:v8+s11+$0x0], $0xffff  }
0x312: {  	v11 =	vadd.s32 $0x2106, v7;
	v5 =	vadd.f32 v5, v6  }
0x313: {  	v6 =	vld.idx.msk [tilespmem:v9+s11+$0x0], $0xffff  }
0x314: {  	v9 =	vadd.s32 $0x2107, v7;
	v1 =	vadd.f32 v1, v5  }
0x315: {  	v5 =	vld.idx.msk [tilespmem:v10+s11+$0x0], $0xffff  }
0x316: {  	v10 =	vadd.s32 $0x2108, v7;
	v1 =	vadd.f32 v8, v1  }
0x317: {  	v8 =	vld.idx.msk [tilespmem:v11+s11+$0x0], $0xffff  }
0x318: {  	v11 =	vadd.s32 $0x2109, v7;
	v1 =	vadd.f32 v6, v1  }
0x319: {  	v6 =	vld.idx.msk [tilespmem:v9+s11+$0x0], $0xffff  }
0x31a: {  	v9 =	vadd.s32 $0x210A, v7;
	v1 =	vadd.f32 v5, v1  }
0x31b: {  	v5 =	vld.idx.msk [tilespmem:v10+s11+$0x0], $0xffff  }
0x31c: {  	v10 =	vadd.s32 $0x210B, v7;
	v1 =	vadd.f32 v8, v1  }
0x31d: {  	v8 =	vld.idx.msk [tilespmem:v11+s11+$0x0], $0xffff  }
0x31e: {  	v11 =	vadd.s32 $0x210C, v7;
	v1 =	vadd.f32 v6, v1  }
0x31f: {  	v6 =	vld.idx.msk [tilespmem:v9+s11+$0x0], $0xffff  }
0x320: {  	v1 =	vadd.f32 v5, v1;
	v5 =	vadd.s32 $0x210D, v7  }
0x321: {  	v9 =	vld.idx.msk [tilespmem:v10+s11+$0x0], $0xffff  }
0x322: {  	v10 =	vadd.s32 $0x210E, v7;
	v1 =	vadd.f32 v8, v1  }
0x323: {  	v7 =	vadd.s32 $0x210F, v7;
	v8 =	vld.idx.msk [tilespmem:v11+s11+$0x0], $0xffff  }
0x324: {  	v1 =	vadd.f32 v6, v1  }
0x325: {  	v6 =	vld.idx.msk [tilespmem:v5+s11+$0x0], $0xffff  }
0x326: {  	v1 =	vadd.f32 v9, v1  }
0x327: {  	s18 =	simm.s32 $0x10;
	v5 =	vld.idx.msk [tilespmem:v10+s11+$0x0], $0xffff  }
0x328: {  	s19 =	simm.s32 $0x20;
	v7 =	vld.idx.msk [tilespmem:v7+s11+$0x0], $0xffff;
	v9 =	vmov s18;
	v8 =	vadd.f32 v8, v1  }
.LBB2_14:
0x329: {  	p0 =	sne.s32 s19, $0x200;
	v1 =	vshll.u32 v9, $0x4  }
0x32a: {  	v1 =	vor.u32 v4, v1;
	v6 =	vadd.f32 v6, v8  }
0x32b: {  	v8 =	vand.u32 $0x3FF0, v1  }
0x32c: {  	v8 =	vadd.s32 $0x2100, v8;
	v5 =	vadd.f32 v5, v6;
	_ =	sdelay $0x1  }
0x32d: {  	v6 =	vadd.s32 $0x2101, v1;
	v5 =	vadd.f32 v7, v5  }
0x32e: {  	s20 =	sand.u32 $0x3F0, s17;
	s17 =	smov.u32 s18;
	s18 =	smov.u32 s19  }
0x32f: {  	v7 =	vadd.s32 $0x2102, v1;
	[tilespmem:s20+$0x10480] =	vst v5  }
0x330: {  	v5 =	vld.idx.msk [tilespmem:v8+s11+$0x0], $0xffff  }
0x331: {  	v8 =	vadd.s32 $0x2103, v1  }
0x332: {  	v6 =	vld.idx.msk [tilespmem:v6+s11+$0x0], $0xffff  }
0x333: {  	v9 =	vadd.s32 $0x2104, v1  }
0x334: {  	v7 =	vld.idx.msk [tilespmem:v7+s11+$0x0], $0xffff  }
0x335: {  	v10 =	vadd.s32 $0x2105, v1  }
0x336: {  	v5 =	vadd.f32 $0.0e+00, v5;
	v8 =	vld.idx.msk [tilespmem:v8+s11+$0x0], $0xffff  }
0x337: {  	v11 =	vadd.s32 $0x2106, v1  }
0x338: {  	v5 =	vadd.f32 v6, v5;
	v6 =	vld.idx.msk [tilespmem:v9+s11+$0x0], $0xffff  }
0x339: {  	v9 =	vadd.s32 $0x2107, v1  }
0x33a: {  	v5 =	vadd.f32 v7, v5;
	v7 =	vld.idx.msk [tilespmem:v10+s11+$0x0], $0xffff  }
0x33b: {  	v10 =	vadd.s32 $0x2108, v1  }
0x33c: {  	v5 =	vadd.f32 v8, v5;
	v8 =	vld.idx.msk [tilespmem:v11+s11+$0x0], $0xffff  }
0x33d: {  	v11 =	vadd.s32 $0x2109, v1  }
0x33e: {  	v5 =	vadd.f32 v6, v5;
	v6 =	vld.idx.msk [tilespmem:v9+s11+$0x0], $0xffff  }
0x33f: {  	v9 =	vadd.s32 $0x210A, v1  }
0x340: {  	v5 =	vadd.f32 v7, v5;
	v7 =	vld.idx.msk [tilespmem:v10+s11+$0x0], $0xffff  }
0x341: {  	v10 =	vadd.s32 $0x210B, v1  }
0x342: {  	v5 =	vadd.f32 v8, v5;
	v8 =	vld.idx.msk [tilespmem:v11+s11+$0x0], $0xffff  }
0x343: {  	v11 =	vadd.s32 $0x210C, v1  }
0x344: {  	v5 =	vadd.f32 v6, v5;
	v6 =	vld.idx.msk [tilespmem:v9+s11+$0x0], $0xffff  }
0x345: {  	v9 =	vadd.s32 $0x210D, v1  }
0x346: {  	v5 =	vadd.f32 v7, v5;
	v7 =	vld.idx.msk [tilespmem:v10+s11+$0x0], $0xffff  }
0x347: {  	v10 =	vadd.s32 $0x210E, v1  }
0x348: {  	v5 =	vadd.f32 v8, v5;
	v8 =	vld.idx.msk [tilespmem:v11+s11+$0x0], $0xffff  }
0x349: {  	v1 =	vadd.s32 $0x210F, v1  }
.Ltmp6:
0x34a: {  	v5 =	vadd.f32 v6, v5;
	v6 =	vld.idx.msk [tilespmem:v9+s11+$0x0], $0xffff;
	(pc) =	sbr.rel @p0 .LBB2_14-.Ltmp6, $3  }
0x34b: {  	_ = 	snop  }
0x34c: {  	v7 =	vadd.f32 v7, v5;
	v5 =	vld.idx.msk [tilespmem:v10+s11+$0x0], $0xffff;
	_ =	sdelay $0x1  }
0x34d: {  	s19 =	sadd.s32 $0x10, s19;
	v9 =	vmov s18;
	v8 =	vadd.f32 v8, v7;
	v7 =	vld.idx.msk [tilespmem:v1+s11+$0x0], $0xffff  }
0x34e: {  	v1 =	vshll.u32 v9, $0x4  }
0x34f: {  	v1 =	vor.u32 v4, v1;
	v4 =	vadd.f32 v6, v8  }
0x350: {  	v44 =	vand.u32 $0x3FF0, v1  }
0x351: {  	v6 =	vadd.s32 $0x2100, v44;
	v4 =	vadd.f32 v5, v4;
	_ =	sdelay $0x1  }
0x352: {  	v5 =	vadd.s32 $0x2101, v1;
	v4 =	vadd.f32 v7, v4  }
0x353: {  	s17 =	sand.u32 $0x3F0, s17  }
0x354: {  	v45 =	vadd.s32 $0x2102, v1;
	[tilespmem:s17+$0x10480] =	vst v4  }
0x355: {  	v4 =	vld.idx.msk [tilespmem:v6+s11+$0x0], $0xffff  }
0x356: {  	v46 =	vadd.s32 $0x2103, v1  }
0x357: {  	v5 =	vld.idx.msk [tilespmem:v5+s11+$0x0], $0xffff  }
0x358: {  	v47 =	vadd.s32 $0x2104, v1  }
0x359: {  	v7 =	vld.idx.msk [tilespmem:v45+s11+$0x0], $0xffff  }
0x35a: {  	v48 =	vadd.s32 $0x2105, v1;
	v4 =	vadd.f32 $0.0e+00, v4  }
0x35b: {  	v6 =	vld.idx.msk [tilespmem:v46+s11+$0x0], $0xffff  }
0x35c: {  	v10 =	vadd.s32 $0x2106, v1;
	v4 =	vadd.f32 v5, v4  }
0x35d: {  	v5 =	vld.idx.msk [tilespmem:v47+s11+$0x0], $0xffff  }
0x35e: {  	v49 =	vadd.s32 $0x2107, v1;
	v4 =	vadd.f32 v7, v4  }
0x35f: {  	v50 =	vld.idx.msk [tilespmem:v48+s11+$0x0], $0xffff  }
0x360: {  	v51 =	vadd.s32 $0x2108, v1;
	v4 =	vadd.f32 v6, v4  }
0x361: {  	v52 =	vld.idx.msk [tilespmem:v10+s11+$0x0], $0xffff  }
0x362: {  	v53 =	vadd.s32 $0x2109, v1;
	v4 =	vadd.f32 v5, v4  }
0x363: {  	v5 =	vld.idx.msk [tilespmem:v49+s11+$0x0], $0xffff  }
0x364: {  	v54 =	vadd.s32 $0x210A, v1;
	v4 =	vadd.f32 v50, v4  }
0x365: {  	v55 =	vld.idx.msk [tilespmem:v51+s11+$0x0], $0xffff  }
0x366: {  	v56 =	vadd.s32 $0x210B, v1;
	v4 =	vadd.f32 v52, v4  }
0x367: {  	v57 =	vld.idx.msk [tilespmem:v53+s11+$0x0], $0xffff  }
0x368: {  	v58 =	vadd.s32 $0x210C, v1;
	v4 =	vadd.f32 v5, v4  }
0x369: {  	v5 =	vld.idx.msk [tilespmem:v54+s11+$0x0], $0xffff  }
0x36a: {  	v59 =	vadd.s32 $0x210D, v1;
	v4 =	vadd.f32 v55, v4  }
0x36b: {  	v60 =	vld.idx.msk [tilespmem:v56+s11+$0x0], $0xffff  }
0x36c: {  	v61 =	vadd.s32 $0x210E, v1;
	v4 =	vadd.f32 v57, v4  }
0x36d: {  	v62 =	vld.idx.msk [tilespmem:v58+s11+$0x0], $0xffff  }
0x36e: {  	v1 =	vadd.s32 $0x210F, v1;
	v4 =	vadd.f32 v5, v4  }
0x36f: {  	v5 =	vld.idx.msk [tilespmem:v59+s11+$0x0], $0xffff  }
0x370: {  	v4 =	vadd.f32 v60, v4  }
0x371: {  	v63 =	vld.idx.msk [tilespmem:v61+s11+$0x0], $0xffff  }
0x372: {  	v4 =	vadd.f32 v62, v4  }
0x373: {  	v1 =	vld.idx.msk [tilespmem:v1+s11+$0x0], $0xffff  }
0x374: {  	v4 =	vadd.f32 v5, v4;
	_ =	sdelay $0x1  }
0x375: {  	v4 =	vadd.f32 v63, v4;
	_ =	sdelay $0x1  }
0x376: {  	s2 =	sadd.s32 $0x1, s2;
	v1 =	vadd.f32 v1, v4  }
0x377: {  	s31 =	sand.u32 $0x3F0, s18;
	p0 =	sne.s32 s2, s8  }
.Ltmp7:
0x378: {  	[tilespmem:s31+$0x10480] =	vst v1;
	(pc) =	sbr.rel @p0 .LBB2_1-.Ltmp7, $4  }
0x379: {  	[hbm4b:s7+s13] =	stream.strided.scatter [tilespmem:s15], [sflag:$0x3], $0x500, s14, s13, $0x38;
	[tilespmem:$0x10700] =	vst v63  }
0x37a: {  	_ =	swait.ge [sflag:s16], $0x500  }
0x37b: {  	[sflag:s16] =	ssyncset.done $0x0  }
0x37c: {  	v1 =	vimm.f32 $0.0e+00;
	[sflag:s16] =	ssyncadd.s32 $0xFFFFFB00  }
0x37d: {  	_ =	sfence.sel $0x180000  }
0x37e: {  	[bflag:$0x0] =	sbarrier.arrive $0xFFFF  }
0x37f: {  	p0 =	sne.s32 s1, $0x0;
	_ =	strace $0x90000047  }
0x380: {  	s0 =	sadd.s32 @!p0 $0x100000, s0;
	[bflag:$0x2] =	sbarrier.arrive $0xFFFF  }
0x381: {  	[sflag:s0] =	ssyncadd.tile.s32 @!p0 $0x1;
	_ =	shalt  }
.Lfunc_end2:
_tile_overlayer_lowered:
.L_overlay_start_2:
0x382: {  	(tag) =	ssettag $0x2  }
0x383: {  	s0 =	rddreg [dreg:$0x0];
	s2 =	stileid.u32  }
0x384: {  	s1 =	rddreg [dreg:$0x1];
	p0 =	sne.s32 s2, $0x0  }
0x385: {  	s3 =	rddreg [dreg:$0x2];
	[bflag:$0x3] =	sbarrier.arrive $0xFFFF;
	s2 =	simm.s32 @!p0 $0x1C03  }
0x386: {  	[timem:s3], [sflag:s2] =	dma.local @!p0 [hbm:s0], s1  }
0x387: {  	s0 =	simm.s32 @!p0 $0x3  }
0x388: {  	_ =	swait.ge @!p0 [sflag:s0], s1  }
0x389: {  	s1 =	ssub.s32 @!p0 $0x0, s1;
	[sflag:s0] =	ssyncset.done @!p0 $0x0  }
0x38a: {  	[sflag:s0] =	ssyncadd.s32 @!p0 s1  }
0x38b: {  	[bflag:$0x3] =	sbarrier.arrive $0xFFFF  }
0x38c: {  	_ =	shalt  }

</sc_bundles>
